<compile_context>
chip_gen: v7x
topology: tpu7x:2x2x1
jax: 0.10.2.dev20260603
libtpu: 0.0.44.dev20260713+nightly
codegen_flags: <defaults>
</compile_context>

<pallas_src>
import jax
import jax.numpy as jnp
from jax import lax
from jax.experimental import pallas as pl
from jax.experimental.pallas import tpu as pltpu
from jax.experimental.pallas import tpu_sc as plsc

VOCAB = 100000
EMB = 128
SEQ = 4096
TOK = 50

_info = plsc.get_sparse_core_info()
NC, NS = _info.num_cores, _info.num_subcores
NW = NC * NS

B = SEQ * TOK
B_PER_W = B // NW
CH = 64
N_CHUNKS = B_PER_W // CH
NBUF = 10
NG = N_CHUNKS // NBUF


def _body(x_hbm, table_hbm, out_hbm, idx_v, *rest):
    rows = rest[:NBUF]
    gsems = rest[NBUF:2 * NBUF]
    ssems = rest[2 * NBUF:3 * NBUF]
    wid = lax.axis_index("s") * NC + lax.axis_index("c")
    base = wid * B_PER_W
    pltpu.sync_copy(x_hbm.at[wid], idx_v)

    def gather_wait(b):
        pltpu.make_async_copy(table_hbm.at[pl.ds(0, CH)], rows[b],
                              gsems[b]).wait()

    def store_wait(b):
        pltpu.make_async_copy(rows[b], out_hbm.at[pl.ds(0, CH)],
                              ssems[b]).wait()

    for b in range(NBUF):
        pltpu.async_copy(table_hbm.at[idx_v.at[b]], rows[b], gsems[b])

    def grp(t, carry):
        for b in range(NBUF):
            i = t * NBUF + b
            gather_wait(b)
            pltpu.async_copy(rows[b], out_hbm.at[pl.ds(base + i * CH, CH)],
                             ssems[b])

        @pl.when(t < NG - 1)
        def _prefetch():
            for b in range(NBUF):
                store_wait(b)
                pltpu.async_copy(table_hbm.at[idx_v.at[(t + 1) * NBUF + b]],
                                 rows[b], gsems[b])

        return carry

    lax.fori_loop(0, NG, grp, 0)
    for b in range(NBUF):
        store_wait(b)


@jax.jit
def _lookup(x_flat, table):
    mesh = plsc.VectorSubcoreMesh(core_axis_name="c", subcore_axis_name="s")
    return pl.kernel(
        _body,
        out_type=jax.ShapeDtypeStruct((B, EMB), jnp.float32),
        mesh=mesh,
        scratch_types=(
            [pltpu.VMEM((N_CHUNKS, CH), jnp.int32)]
            + [pltpu.VMEM((CH, EMB), jnp.float32) for _ in range(NBUF)]
            + [pltpu.SemaphoreType.DMA for _ in range(2 * NBUF)]
        ),
    )(x_flat, table)


def kernel(x, table):
    x_t = x.astype(jnp.int32).T.reshape(NW, N_CHUNKS, CH)
    out = _lookup(x_t, table)
    return out.reshape(TOK, SEQ, EMB).transpose(1, 0, 2)

# --- scband reference (transcript-rebuilt; emitter-appended) ---
"""Pipeline reference for scband-token-embeddings-3341484556862 (READ-ONLY COPY).

The authoritative reference and input builder live on the scoring server;
editing this copy changes nothing except your own understanding.
"""

import jax, jax.numpy as jnp
import numpy as np

VOCAB = 100000
EMB = 128

def setup_inputs(seed: int = 0) -> dict:
    key = jax.random.key(seed)
    k_idx, k_tab = jax.random.split(key)
    x = jax.random.randint(k_idx, (4096, 50), 0, VOCAB, dtype=jnp.int64)
    # nn.Embedding default init: N(0, 1)
    table = jax.random.normal(k_tab, (VOCAB, EMB), dtype=jnp.float32)
    return {"x": x, "table": table}

def reference(x, table):
    # nn.Embedding forward: gather rows of the table by index
    return jnp.take(table, x, axis=0)

if __name__ == "__main__":
    import jax
    _d = setup_inputs()
    print(jax.jit(kernel)(*tuple(_d.values())))

</pallas_src>

<mosaic_0001>
#map = affine_map<(d0, d1) -> (0, 0, 0)>
#map1 = affine_map<(d0, d1) -> (0, 0)>
module attributes {stable_mosaic.version = 14 : i64} {
  func.func @_body(%arg0: i32, %arg1: i32, %arg2: memref<32x100x64xi32, #tpu.memory_space<hbm>>, %arg3: memref<100000x128xf32, #tpu.memory_space<hbm>>, %arg4: memref<204800x128xf32, #tpu.memory_space<hbm>>, %arg5: memref<100x64xi32, #tpu.memory_space<vmem>>, %arg6: memref<64x128xf32, #tpu.memory_space<vmem>>, %arg7: memref<64x128xf32, #tpu.memory_space<vmem>>, %arg8: memref<64x128xf32, #tpu.memory_space<vmem>>, %arg9: memref<64x128xf32, #tpu.memory_space<vmem>>, %arg10: memref<64x128xf32, #tpu.memory_space<vmem>>, %arg11: memref<64x128xf32, #tpu.memory_space<vmem>>, %arg12: memref<64x128xf32, #tpu.memory_space<vmem>>, %arg13: memref<64x128xf32, #tpu.memory_space<vmem>>, %arg14: memref<64x128xf32, #tpu.memory_space<vmem>>, %arg15: memref<64x128xf32, #tpu.memory_space<vmem>>, %arg16: memref<!tpu.dma_semaphore, #tpu.memory_space<semaphore_mem>>, %arg17: memref<!tpu.dma_semaphore, #tpu.memory_space<semaphore_mem>>, %arg18: memref<!tpu.dma_semaphore, #tpu.memory_space<semaphore_mem>>, %arg19: memref<!tpu.dma_semaphore, #tpu.memory_space<semaphore_mem>>, %arg20: memref<!tpu.dma_semaphore, #tpu.memory_space<semaphore_mem>>, %arg21: memref<!tpu.dma_semaphore, #tpu.memory_space<semaphore_mem>>, %arg22: memref<!tpu.dma_semaphore, #tpu.memory_space<semaphore_mem>>, %arg23: memref<!tpu.dma_semaphore, #tpu.memory_space<semaphore_mem>>, %arg24: memref<!tpu.dma_semaphore, #tpu.memory_space<semaphore_mem>>, %arg25: memref<!tpu.dma_semaphore, #tpu.memory_space<semaphore_mem>>, %arg26: memref<!tpu.dma_semaphore, #tpu.memory_space<semaphore_mem>>, %arg27: memref<!tpu.dma_semaphore, #tpu.memory_space<semaphore_mem>>, %arg28: memref<!tpu.dma_semaphore, #tpu.memory_space<semaphore_mem>>, %arg29: memref<!tpu.dma_semaphore, #tpu.memory_space<semaphore_mem>>, %arg30: memref<!tpu.dma_semaphore, #tpu.memory_space<semaphore_mem>>, %arg31: memref<!tpu.dma_semaphore, #tpu.memory_space<semaphore_mem>>, %arg32: memref<!tpu.dma_semaphore, #tpu.memory_space<semaphore_mem>>, %arg33: memref<!tpu.dma_semaphore, #tpu.memory_space<semaphore_mem>>, %arg34: memref<!tpu.dma_semaphore, #tpu.memory_space<semaphore_mem>>, %arg35: memref<!tpu.dma_semaphore, #tpu.memory_space<semaphore_mem>>) attributes {dimension_semantics = [#tpu.dimension_semantics<core_parallel>, #tpu.dimension_semantics<subcore_parallel>], iteration_bounds = array<i64: 2, 16>, scalar_prefetch = 0 : i64, scratch_operands = 31 : i64, tpu.core_type = #tpu.core_type<sc_vector_subcore>, window_params = [{transform_indices = #map}, {transform_indices = #map1}, {transform_indices = #map1}]} {
    %mul3A = arith.constant 2 : i32
    %mul3A_0 = arith.muli %arg1, %mul3A : i32
    %add3A = arith.addi %mul3A_0, %arg0 : i32
    %mul3A_1 = arith.constant 6400 : i32
    %mul3A_2 = arith.muli %add3A, %mul3A_1 : i32
    "tpu.region"() ({
      %run_scoped3A = tpu.sem_alloc : memref<!tpu.dma_semaphore, #tpu.memory_space<semaphore_mem>>
      %dma_start3A_136 = arith.constant 0 : i32
      %dma_start3A_137 = arith.constant 0 : i32
      %dma_start3A_138 = tpu.memref_slice %arg2[%add3A, %dma_start3A_136, %dma_start3A_137] : memref<32x100x64xi32, #tpu.memory_space<hbm>> -> memref<1x100x64xi32, #tpu.memory_space<hbm>>
      %dma_start3A_139 = tpu.memref_squeeze %dma_start3A_138 : memref<1x100x64xi32, #tpu.memory_space<hbm>> -> memref<100x64xi32, #tpu.memory_space<hbm>>
      %dma_start3A_140 = arith.constant 0 : i32
      %dma_start3A_141 = arith.constant 0 : i32
      %dma_start3A_142 = tpu.memref_slice %arg2[%add3A, %dma_start3A_140, %dma_start3A_141] : memref<32x100x64xi32, #tpu.memory_space<hbm>> -> memref<1x100x64xi32, #tpu.memory_space<hbm>>
      %dma_start3A_143 = tpu.memref_squeeze %dma_start3A_142 : memref<1x100x64xi32, #tpu.memory_space<hbm>> -> memref<100x64xi32, #tpu.memory_space<hbm>>
      tpu.enqueue_dma source(%dma_start3A_143 : memref<100x64xi32, #tpu.memory_space<hbm>>) target(%arg5 : memref<100x64xi32, #tpu.memory_space<vmem>>) target_semaphore(%run_scoped3A : memref<!tpu.dma_semaphore, #tpu.memory_space<semaphore_mem>>)
      %dma_wait3A_144 = arith.constant 0 : i32
      %dma_wait3A_145 = arith.constant 0 : i32
      %dma_wait3A_146 = tpu.memref_slice %arg2[%add3A, %dma_wait3A_144, %dma_wait3A_145] : memref<32x100x64xi32, #tpu.memory_space<hbm>> -> memref<1x100x64xi32, #tpu.memory_space<hbm>>
      %dma_wait3A_147 = tpu.memref_squeeze %dma_wait3A_146 : memref<1x100x64xi32, #tpu.memory_space<hbm>> -> memref<100x64xi32, #tpu.memory_space<hbm>>
      %dma_wait3A_148 = arith.constant 0 : i32
      %dma_wait3A_149 = arith.constant 0 : i32
      %dma_wait3A_150 = tpu.memref_slice %arg2[%add3A, %dma_wait3A_148, %dma_wait3A_149] : memref<32x100x64xi32, #tpu.memory_space<hbm>> -> memref<1x100x64xi32, #tpu.memory_space<hbm>>
      %dma_wait3A_151 = tpu.memref_squeeze %dma_wait3A_150 : memref<1x100x64xi32, #tpu.memory_space<hbm>> -> memref<100x64xi32, #tpu.memory_space<hbm>>
      tpu.wait_dma2 semaphore(%run_scoped3A : memref<!tpu.dma_semaphore, #tpu.memory_space<semaphore_mem>>) src(%dma_wait3A_151 : memref<100x64xi32, #tpu.memory_space<hbm>>) dst(%arg5 : memref<100x64xi32, #tpu.memory_space<vmem>>)
      tpu.yield
    }) : () -> ()
    %dma_start3A = arith.constant 0 : i32
    %dma_start3A_3 = arith.constant 0 : i32
    %dma_start3A_4 = tpu.memref_slice %arg5[%dma_start3A, %dma_start3A_3] : memref<100x64xi32, #tpu.memory_space<vmem>> -> memref<1x64xi32, #tpu.memory_space<vmem>>
    %dma_start3A_5 = tpu.memref_squeeze %dma_start3A_4 : memref<1x64xi32, #tpu.memory_space<vmem>> -> memref<64xi32, #tpu.memory_space<vmem>>
    %dma_start3A_6 = arith.constant 0 : i32
    %dma_start3A_7 = arith.constant 0 : i32
    %dma_start3A_8 = tpu.memref_slice %arg3[%dma_start3A_6, %dma_start3A_7] : memref<100000x128xf32, #tpu.memory_space<hbm>> -> memref<100000x128xf32, #tpu.memory_space<hbm>>
    tpu.enqueue_indirect_dma source(%dma_start3A_8 : memref<100000x128xf32, #tpu.memory_space<hbm>>) target(%arg6 : memref<64x128xf32, #tpu.memory_space<vmem>>) offsets(%dma_start3A_5 : memref<64xi32, #tpu.memory_space<vmem>>) semaphore(%arg16 : memref<!tpu.dma_semaphore, #tpu.memory_space<semaphore_mem>>)
    %dma_start3A_9 = arith.constant 1 : i32
    %dma_start3A_10 = arith.constant 0 : i32
    %dma_start3A_11 = tpu.memref_slice %arg5[%dma_start3A_9, %dma_start3A_10] : memref<100x64xi32, #tpu.memory_space<vmem>> -> memref<1x64xi32, #tpu.memory_space<vmem>>
    %dma_start3A_12 = tpu.memref_squeeze %dma_start3A_11 : memref<1x64xi32, #tpu.memory_space<vmem>> -> memref<64xi32, #tpu.memory_space<vmem>>
    %dma_start3A_13 = arith.constant 0 : i32
    %dma_start3A_14 = arith.constant 0 : i32
    %dma_start3A_15 = tpu.memref_slice %arg3[%dma_start3A_13, %dma_start3A_14] : memref<100000x128xf32, #tpu.memory_space<hbm>> -> memref<100000x128xf32, #tpu.memory_space<hbm>>
    tpu.enqueue_indirect_dma source(%dma_start3A_15 : memref<100000x128xf32, #tpu.memory_space<hbm>>) target(%arg7 : memref<64x128xf32, #tpu.memory_space<vmem>>) offsets(%dma_start3A_12 : memref<64xi32, #tpu.memory_space<vmem>>) semaphore(%arg17 : memref<!tpu.dma_semaphore, #tpu.memory_space<semaphore_mem>>)
    %dma_start3A_16 = arith.constant 2 : i32
    %dma_start3A_17 = arith.constant 0 : i32
    %dma_start3A_18 = tpu.memref_slice %arg5[%dma_start3A_16, %dma_start3A_17] : memref<100x64xi32, #tpu.memory_space<vmem>> -> memref<1x64xi32, #tpu.memory_space<vmem>>
    %dma_start3A_19 = tpu.memref_squeeze %dma_start3A_18 : memref<1x64xi32, #tpu.memory_space<vmem>> -> memref<64xi32, #tpu.memory_space<vmem>>
    %dma_start3A_20 = arith.constant 0 : i32
    %dma_start3A_21 = arith.constant 0 : i32
    %dma_start3A_22 = tpu.memref_slice %arg3[%dma_start3A_20, %dma_start3A_21] : memref<100000x128xf32, #tpu.memory_space<hbm>> -> memref<100000x128xf32, #tpu.memory_space<hbm>>
    tpu.enqueue_indirect_dma source(%dma_start3A_22 : memref<100000x128xf32, #tpu.memory_space<hbm>>) target(%arg8 : memref<64x128xf32, #tpu.memory_space<vmem>>) offsets(%dma_start3A_19 : memref<64xi32, #tpu.memory_space<vmem>>) semaphore(%arg18 : memref<!tpu.dma_semaphore, #tpu.memory_space<semaphore_mem>>)
    %dma_start3A_23 = arith.constant 3 : i32
    %dma_start3A_24 = arith.constant 0 : i32
    %dma_start3A_25 = tpu.memref_slice %arg5[%dma_start3A_23, %dma_start3A_24] : memref<100x64xi32, #tpu.memory_space<vmem>> -> memref<1x64xi32, #tpu.memory_space<vmem>>
    %dma_start3A_26 = tpu.memref_squeeze %dma_start3A_25 : memref<1x64xi32, #tpu.memory_space<vmem>> -> memref<64xi32, #tpu.memory_space<vmem>>
    %dma_start3A_27 = arith.constant 0 : i32
    %dma_start3A_28 = arith.constant 0 : i32
    %dma_start3A_29 = tpu.memref_slice %arg3[%dma_start3A_27, %dma_start3A_28] : memref<100000x128xf32, #tpu.memory_space<hbm>> -> memref<100000x128xf32, #tpu.memory_space<hbm>>
    tpu.enqueue_indirect_dma source(%dma_start3A_29 : memref<100000x128xf32, #tpu.memory_space<hbm>>) target(%arg9 : memref<64x128xf32, #tpu.memory_space<vmem>>) offsets(%dma_start3A_26 : memref<64xi32, #tpu.memory_space<vmem>>) semaphore(%arg19 : memref<!tpu.dma_semaphore, #tpu.memory_space<semaphore_mem>>)
    %dma_start3A_30 = arith.constant 4 : i32
    %dma_start3A_31 = arith.constant 0 : i32
    %dma_start3A_32 = tpu.memref_slice %arg5[%dma_start3A_30, %dma_start3A_31] : memref<100x64xi32, #tpu.memory_space<vmem>> -> memref<1x64xi32, #tpu.memory_space<vmem>>
    %dma_start3A_33 = tpu.memref_squeeze %dma_start3A_32 : memref<1x64xi32, #tpu.memory_space<vmem>> -> memref<64xi32, #tpu.memory_space<vmem>>
    %dma_start3A_34 = arith.constant 0 : i32
    %dma_start3A_35 = arith.constant 0 : i32
    %dma_start3A_36 = tpu.memref_slice %arg3[%dma_start3A_34, %dma_start3A_35] : memref<100000x128xf32, #tpu.memory_space<hbm>> -> memref<100000x128xf32, #tpu.memory_space<hbm>>
    tpu.enqueue_indirect_dma source(%dma_start3A_36 : memref<100000x128xf32, #tpu.memory_space<hbm>>) target(%arg10 : memref<64x128xf32, #tpu.memory_space<vmem>>) offsets(%dma_start3A_33 : memref<64xi32, #tpu.memory_space<vmem>>) semaphore(%arg20 : memref<!tpu.dma_semaphore, #tpu.memory_space<semaphore_mem>>)
    %dma_start3A_37 = arith.constant 5 : i32
    %dma_start3A_38 = arith.constant 0 : i32
    %dma_start3A_39 = tpu.memref_slice %arg5[%dma_start3A_37, %dma_start3A_38] : memref<100x64xi32, #tpu.memory_space<vmem>> -> memref<1x64xi32, #tpu.memory_space<vmem>>
    %dma_start3A_40 = tpu.memref_squeeze %dma_start3A_39 : memref<1x64xi32, #tpu.memory_space<vmem>> -> memref<64xi32, #tpu.memory_space<vmem>>
    %dma_start3A_41 = arith.constant 0 : i32
    %dma_start3A_42 = arith.constant 0 : i32
    %dma_start3A_43 = tpu.memref_slice %arg3[%dma_start3A_41, %dma_start3A_42] : memref<100000x128xf32, #tpu.memory_space<hbm>> -> memref<100000x128xf32, #tpu.memory_space<hbm>>
    tpu.enqueue_indirect_dma source(%dma_start3A_43 : memref<100000x128xf32, #tpu.memory_space<hbm>>) target(%arg11 : memref<64x128xf32, #tpu.memory_space<vmem>>) offsets(%dma_start3A_40 : memref<64xi32, #tpu.memory_space<vmem>>) semaphore(%arg21 : memref<!tpu.dma_semaphore, #tpu.memory_space<semaphore_mem>>)
    %dma_start3A_44 = arith.constant 6 : i32
    %dma_start3A_45 = arith.constant 0 : i32
    %dma_start3A_46 = tpu.memref_slice %arg5[%dma_start3A_44, %dma_start3A_45] : memref<100x64xi32, #tpu.memory_space<vmem>> -> memref<1x64xi32, #tpu.memory_space<vmem>>
    %dma_start3A_47 = tpu.memref_squeeze %dma_start3A_46 : memref<1x64xi32, #tpu.memory_space<vmem>> -> memref<64xi32, #tpu.memory_space<vmem>>
    %dma_start3A_48 = arith.constant 0 : i32
    %dma_start3A_49 = arith.constant 0 : i32
    %dma_start3A_50 = tpu.memref_slice %arg3[%dma_start3A_48, %dma_start3A_49] : memref<100000x128xf32, #tpu.memory_space<hbm>> -> memref<100000x128xf32, #tpu.memory_space<hbm>>
    tpu.enqueue_indirect_dma source(%dma_start3A_50 : memref<100000x128xf32, #tpu.memory_space<hbm>>) target(%arg12 : memref<64x128xf32, #tpu.memory_space<vmem>>) offsets(%dma_start3A_47 : memref<64xi32, #tpu.memory_space<vmem>>) semaphore(%arg22 : memref<!tpu.dma_semaphore, #tpu.memory_space<semaphore_mem>>)
    %dma_start3A_51 = arith.constant 7 : i32
    %dma_start3A_52 = arith.constant 0 : i32
    %dma_start3A_53 = tpu.memref_slice %arg5[%dma_start3A_51, %dma_start3A_52] : memref<100x64xi32, #tpu.memory_space<vmem>> -> memref<1x64xi32, #tpu.memory_space<vmem>>
    %dma_start3A_54 = tpu.memref_squeeze %dma_start3A_53 : memref<1x64xi32, #tpu.memory_space<vmem>> -> memref<64xi32, #tpu.memory_space<vmem>>
    %dma_start3A_55 = arith.constant 0 : i32
    %dma_start3A_56 = arith.constant 0 : i32
    %dma_start3A_57 = tpu.memref_slice %arg3[%dma_start3A_55, %dma_start3A_56] : memref<100000x128xf32, #tpu.memory_space<hbm>> -> memref<100000x128xf32, #tpu.memory_space<hbm>>
    tpu.enqueue_indirect_dma source(%dma_start3A_57 : memref<100000x128xf32, #tpu.memory_space<hbm>>) target(%arg13 : memref<64x128xf32, #tpu.memory_space<vmem>>) offsets(%dma_start3A_54 : memref<64xi32, #tpu.memory_space<vmem>>) semaphore(%arg23 : memref<!tpu.dma_semaphore, #tpu.memory_space<semaphore_mem>>)
    %dma_start3A_58 = arith.constant 8 : i32
    %dma_start3A_59 = arith.constant 0 : i32
    %dma_start3A_60 = tpu.memref_slice %arg5[%dma_start3A_58, %dma_start3A_59] : memref<100x64xi32, #tpu.memory_space<vmem>> -> memref<1x64xi32, #tpu.memory_space<vmem>>
    %dma_start3A_61 = tpu.memref_squeeze %dma_start3A_60 : memref<1x64xi32, #tpu.memory_space<vmem>> -> memref<64xi32, #tpu.memory_space<vmem>>
    %dma_start3A_62 = arith.constant 0 : i32
    %dma_start3A_63 = arith.constant 0 : i32
    %dma_start3A_64 = tpu.memref_slice %arg3[%dma_start3A_62, %dma_start3A_63] : memref<100000x128xf32, #tpu.memory_space<hbm>> -> memref<100000x128xf32, #tpu.memory_space<hbm>>
    tpu.enqueue_indirect_dma source(%dma_start3A_64 : memref<100000x128xf32, #tpu.memory_space<hbm>>) target(%arg14 : memref<64x128xf32, #tpu.memory_space<vmem>>) offsets(%dma_start3A_61 : memref<64xi32, #tpu.memory_space<vmem>>) semaphore(%arg24 : memref<!tpu.dma_semaphore, #tpu.memory_space<semaphore_mem>>)
    %dma_start3A_65 = arith.constant 9 : i32
    %dma_start3A_66 = arith.constant 0 : i32
    %dma_start3A_67 = tpu.memref_slice %arg5[%dma_start3A_65, %dma_start3A_66] : memref<100x64xi32, #tpu.memory_space<vmem>> -> memref<1x64xi32, #tpu.memory_space<vmem>>
    %dma_start3A_68 = tpu.memref_squeeze %dma_start3A_67 : memref<1x64xi32, #tpu.memory_space<vmem>> -> memref<64xi32, #tpu.memory_space<vmem>>
    %dma_start3A_69 = arith.constant 0 : i32
    %dma_start3A_70 = arith.constant 0 : i32
    %dma_start3A_71 = tpu.memref_slice %arg3[%dma_start3A_69, %dma_start3A_70] : memref<100000x128xf32, #tpu.memory_space<hbm>> -> memref<100000x128xf32, #tpu.memory_space<hbm>>
    tpu.enqueue_indirect_dma source(%dma_start3A_71 : memref<100000x128xf32, #tpu.memory_space<hbm>>) target(%arg15 : memref<64x128xf32, #tpu.memory_space<vmem>>) offsets(%dma_start3A_68 : memref<64xi32, #tpu.memory_space<vmem>>) semaphore(%arg25 : memref<!tpu.dma_semaphore, #tpu.memory_space<semaphore_mem>>)
    %scan3A = arith.constant 0 : i32
    %scan3A_72 = arith.constant 0 : i32
    %scan3A_73 = arith.constant 10 : i32
    %scan3A_74 = arith.addi %scan3A_72, %scan3A_73 : i32
    %scan3A_75 = arith.constant 1 : i32
    scf.for %scan3A_136 = %scan3A_72 to %scan3A_74 step %scan3A_75  : i32 {
      %mul3A_137 = arith.constant 10 : i32
      %mul3A_138 = arith.muli %scan3A_136, %mul3A_137 : i32
      %add3A_139 = arith.constant 0 : i32
      %add3A_140 = arith.addi %mul3A_138, %add3A_139 : i32
      %dma_wait3A_141 = arith.constant 0 : i32
      %dma_wait3A_142 = arith.constant 0 : i32
      %dma_wait3A_143 = tpu.memref_slice %arg3[%dma_wait3A_141, %dma_wait3A_142] : memref<100000x128xf32, #tpu.memory_space<hbm>> -> memref<64x128xf32, #tpu.memory_space<hbm>>
      %dma_wait3A_144 = arith.constant 0 : i32
      %dma_wait3A_145 = arith.constant 0 : i32
      %dma_wait3A_146 = tpu.memref_slice %arg3[%dma_wait3A_144, %dma_wait3A_145] : memref<100000x128xf32, #tpu.memory_space<hbm>> -> memref<64x128xf32, #tpu.memory_space<hbm>>
      tpu.wait_dma2 semaphore(%arg16 : memref<!tpu.dma_semaphore, #tpu.memory_space<semaphore_mem>>) src(%dma_wait3A_146 : memref<64x128xf32, #tpu.memory_space<hbm>>) dst(%arg6 : memref<64x128xf32, #tpu.memory_space<vmem>>)
      %mul3A_147 = arith.constant 64 : i32
      %mul3A_148 = arith.muli %add3A_140, %mul3A_147 : i32
      %add3A_149 = arith.addi %mul3A_2, %mul3A_148 : i32
      %dma_start3A_150 = arith.constant 0 : i32
      %dma_start3A_151 = tpu.memref_slice %arg4[%add3A_149, %dma_start3A_150] : memref<204800x128xf32, #tpu.memory_space<hbm>> -> memref<64x128xf32, #tpu.memory_space<hbm>>
      %dma_start3A_152 = arith.constant 0 : i32
      %dma_start3A_153 = tpu.memref_slice %arg4[%add3A_149, %dma_start3A_152] : memref<204800x128xf32, #tpu.memory_space<hbm>> -> memref<64x128xf32, #tpu.memory_space<hbm>>
      tpu.enqueue_dma source(%arg6 : memref<64x128xf32, #tpu.memory_space<vmem>>) target(%dma_start3A_153 : memref<64x128xf32, #tpu.memory_space<hbm>>) target_semaphore(%arg26 : memref<!tpu.dma_semaphore, #tpu.memory_space<semaphore_mem>>)
      %mul3A_154 = arith.constant 10 : i32
      %mul3A_155 = arith.muli %scan3A_136, %mul3A_154 : i32
      %add3A_156 = arith.constant 1 : i32
      %add3A_157 = arith.addi %mul3A_155, %add3A_156 : i32
      %dma_wait3A_158 = arith.constant 0 : i32
      %dma_wait3A_159 = arith.constant 0 : i32
      %dma_wait3A_160 = tpu.memref_slice %arg3[%dma_wait3A_158, %dma_wait3A_159] : memref<100000x128xf32, #tpu.memory_space<hbm>> -> memref<64x128xf32, #tpu.memory_space<hbm>>
      %dma_wait3A_161 = arith.constant 0 : i32
      %dma_wait3A_162 = arith.constant 0 : i32
      %dma_wait3A_163 = tpu.memref_slice %arg3[%dma_wait3A_161, %dma_wait3A_162] : memref<100000x128xf32, #tpu.memory_space<hbm>> -> memref<64x128xf32, #tpu.memory_space<hbm>>
      tpu.wait_dma2 semaphore(%arg17 : memref<!tpu.dma_semaphore, #tpu.memory_space<semaphore_mem>>) src(%dma_wait3A_163 : memref<64x128xf32, #tpu.memory_space<hbm>>) dst(%arg7 : memref<64x128xf32, #tpu.memory_space<vmem>>)
      %mul3A_164 = arith.constant 64 : i32
      %mul3A_165 = arith.muli %add3A_157, %mul3A_164 : i32
      %add3A_166 = arith.addi %mul3A_2, %mul3A_165 : i32
      %dma_start3A_167 = arith.constant 0 : i32
      %dma_start3A_168 = tpu.memref_slice %arg4[%add3A_166, %dma_start3A_167] : memref<204800x128xf32, #tpu.memory_space<hbm>> -> memref<64x128xf32, #tpu.memory_space<hbm>>
      %dma_start3A_169 = arith.constant 0 : i32
      %dma_start3A_170 = tpu.memref_slice %arg4[%add3A_166, %dma_start3A_169] : memref<204800x128xf32, #tpu.memory_space<hbm>> -> memref<64x128xf32, #tpu.memory_space<hbm>>
      tpu.enqueue_dma source(%arg7 : memref<64x128xf32, #tpu.memory_space<vmem>>) target(%dma_start3A_170 : memref<64x128xf32, #tpu.memory_space<hbm>>) target_semaphore(%arg27 : memref<!tpu.dma_semaphore, #tpu.memory_space<semaphore_mem>>)
      %mul3A_171 = arith.constant 10 : i32
      %mul3A_172 = arith.muli %scan3A_136, %mul3A_171 : i32
      %add3A_173 = arith.constant 2 : i32
      %add3A_174 = arith.addi %mul3A_172, %add3A_173 : i32
      %dma_wait3A_175 = arith.constant 0 : i32
      %dma_wait3A_176 = arith.constant 0 : i32
      %dma_wait3A_177 = tpu.memref_slice %arg3[%dma_wait3A_175, %dma_wait3A_176] : memref<100000x128xf32, #tpu.memory_space<hbm>> -> memref<64x128xf32, #tpu.memory_space<hbm>>
      %dma_wait3A_178 = arith.constant 0 : i32
      %dma_wait3A_179 = arith.constant 0 : i32
      %dma_wait3A_180 = tpu.memref_slice %arg3[%dma_wait3A_178, %dma_wait3A_179] : memref<100000x128xf32, #tpu.memory_space<hbm>> -> memref<64x128xf32, #tpu.memory_space<hbm>>
      tpu.wait_dma2 semaphore(%arg18 : memref<!tpu.dma_semaphore, #tpu.memory_space<semaphore_mem>>) src(%dma_wait3A_180 : memref<64x128xf32, #tpu.memory_space<hbm>>) dst(%arg8 : memref<64x128xf32, #tpu.memory_space<vmem>>)
      %mul3A_181 = arith.constant 64 : i32
      %mul3A_182 = arith.muli %add3A_174, %mul3A_181 : i32
      %add3A_183 = arith.addi %mul3A_2, %mul3A_182 : i32
      %dma_start3A_184 = arith.constant 0 : i32
      %dma_start3A_185 = tpu.memref_slice %arg4[%add3A_183, %dma_start3A_184] : memref<204800x128xf32, #tpu.memory_space<hbm>> -> memref<64x128xf32, #tpu.memory_space<hbm>>
      %dma_start3A_186 = arith.constant 0 : i32
      %dma_start3A_187 = tpu.memref_slice %arg4[%add3A_183, %dma_start3A_186] : memref<204800x128xf32, #tpu.memory_space<hbm>> -> memref<64x128xf32, #tpu.memory_space<hbm>>
      tpu.enqueue_dma source(%arg8 : memref<64x128xf32, #tpu.memory_space<vmem>>) target(%dma_start3A_187 : memref<64x128xf32, #tpu.memory_space<hbm>>) target_semaphore(%arg28 : memref<!tpu.dma_semaphore, #tpu.memory_space<semaphore_mem>>)
      %mul3A_188 = arith.constant 10 : i32
      %mul3A_189 = arith.muli %scan3A_136, %mul3A_188 : i32
      %add3A_190 = arith.constant 3 : i32
      %add3A_191 = arith.addi %mul3A_189, %add3A_190 : i32
      %dma_wait3A_192 = arith.constant 0 : i32
      %dma_wait3A_193 = arith.constant 0 : i32
      %dma_wait3A_194 = tpu.memref_slice %arg3[%dma_wait3A_192, %dma_wait3A_193] : memref<100000x128xf32, #tpu.memory_space<hbm>> -> memref<64x128xf32, #tpu.memory_space<hbm>>
      %dma_wait3A_195 = arith.constant 0 : i32
      %dma_wait3A_196 = arith.constant 0 : i32
      %dma_wait3A_197 = tpu.memref_slice %arg3[%dma_wait3A_195, %dma_wait3A_196] : memref<100000x128xf32, #tpu.memory_space<hbm>> -> memref<64x128xf32, #tpu.memory_space<hbm>>
      tpu.wait_dma2 semaphore(%arg19 : memref<!tpu.dma_semaphore, #tpu.memory_space<semaphore_mem>>) src(%dma_wait3A_197 : memref<64x128xf32, #tpu.memory_space<hbm>>) dst(%arg9 : memref<64x128xf32, #tpu.memory_space<vmem>>)
      %mul3A_198 = arith.constant 64 : i32
      %mul3A_199 = arith.muli %add3A_191, %mul3A_198 : i32
      %add3A_200 = arith.addi %mul3A_2, %mul3A_199 : i32
      %dma_start3A_201 = arith.constant 0 : i32
      %dma_start3A_202 = tpu.memref_slice %arg4[%add3A_200, %dma_start3A_201] : memref<204800x128xf32, #tpu.memory_space<hbm>> -> memref<64x128xf32, #tpu.memory_space<hbm>>
      %dma_start3A_203 = arith.constant 0 : i32
      %dma_start3A_204 = tpu.memref_slice %arg4[%add3A_200, %dma_start3A_203] : memref<204800x128xf32, #tpu.memory_space<hbm>> -> memref<64x128xf32, #tpu.memory_space<hbm>>
      tpu.enqueue_dma source(%arg9 : memref<64x128xf32, #tpu.memory_space<vmem>>) target(%dma_start3A_204 : memref<64x128xf32, #tpu.memory_space<hbm>>) target_semaphore(%arg29 : memref<!tpu.dma_semaphore, #tpu.memory_space<semaphore_mem>>)
      %mul3A_205 = arith.constant 10 : i32
      %mul3A_206 = arith.muli %scan3A_136, %mul3A_205 : i32
      %add3A_207 = arith.constant 4 : i32
      %add3A_208 = arith.addi %mul3A_206, %add3A_207 : i32
      %dma_wait3A_209 = arith.constant 0 : i32
      %dma_wait3A_210 = arith.constant 0 : i32
      %dma_wait3A_211 = tpu.memref_slice %arg3[%dma_wait3A_209, %dma_wait3A_210] : memref<100000x128xf32, #tpu.memory_space<hbm>> -> memref<64x128xf32, #tpu.memory_space<hbm>>
      %dma_wait3A_212 = arith.constant 0 : i32
      %dma_wait3A_213 = arith.constant 0 : i32
      %dma_wait3A_214 = tpu.memref_slice %arg3[%dma_wait3A_212, %dma_wait3A_213] : memref<100000x128xf32, #tpu.memory_space<hbm>> -> memref<64x128xf32, #tpu.memory_space<hbm>>
      tpu.wait_dma2 semaphore(%arg20 : memref<!tpu.dma_semaphore, #tpu.memory_space<semaphore_mem>>) src(%dma_wait3A_214 : memref<64x128xf32, #tpu.memory_space<hbm>>) dst(%arg10 : memref<64x128xf32, #tpu.memory_space<vmem>>)
      %mul3A_215 = arith.constant 64 : i32
      %mul3A_216 = arith.muli %add3A_208, %mul3A_215 : i32
      %add3A_217 = arith.addi %mul3A_2, %mul3A_216 : i32
      %dma_start3A_218 = arith.constant 0 : i32
      %dma_start3A_219 = tpu.memref_slice %arg4[%add3A_217, %dma_start3A_218] : memref<204800x128xf32, #tpu.memory_space<hbm>> -> memref<64x128xf32, #tpu.memory_space<hbm>>
      %dma_start3A_220 = arith.constant 0 : i32
      %dma_start3A_221 = tpu.memref_slice %arg4[%add3A_217, %dma_start3A_220] : memref<204800x128xf32, #tpu.memory_space<hbm>> -> memref<64x128xf32, #tpu.memory_space<hbm>>
      tpu.enqueue_dma source(%arg10 : memref<64x128xf32, #tpu.memory_space<vmem>>) target(%dma_start3A_221 : memref<64x128xf32, #tpu.memory_space<hbm>>) target_semaphore(%arg30 : memref<!tpu.dma_semaphore, #tpu.memory_space<semaphore_mem>>)
      %mul3A_222 = arith.constant 10 : i32
      %mul3A_223 = arith.muli %scan3A_136, %mul3A_222 : i32
      %add3A_224 = arith.constant 5 : i32
      %add3A_225 = arith.addi %mul3A_223, %add3A_224 : i32
      %dma_wait3A_226 = arith.constant 0 : i32
      %dma_wait3A_227 = arith.constant 0 : i32
      %dma_wait3A_228 = tpu.memref_slice %arg3[%dma_wait3A_226, %dma_wait3A_227] : memref<100000x128xf32, #tpu.memory_space<hbm>> -> memref<64x128xf32, #tpu.memory_space<hbm>>
      %dma_wait3A_229 = arith.constant 0 : i32
      %dma_wait3A_230 = arith.constant 0 : i32
      %dma_wait3A_231 = tpu.memref_slice %arg3[%dma_wait3A_229, %dma_wait3A_230] : memref<100000x128xf32, #tpu.memory_space<hbm>> -> memref<64x128xf32, #tpu.memory_space<hbm>>
      tpu.wait_dma2 semaphore(%arg21 : memref<!tpu.dma_semaphore, #tpu.memory_space<semaphore_mem>>) src(%dma_wait3A_231 : memref<64x128xf32, #tpu.memory_space<hbm>>) dst(%arg11 : memref<64x128xf32, #tpu.memory_space<vmem>>)
      %mul3A_232 = arith.constant 64 : i32
      %mul3A_233 = arith.muli %add3A_225, %mul3A_232 : i32
      %add3A_234 = arith.addi %mul3A_2, %mul3A_233 : i32
      %dma_start3A_235 = arith.constant 0 : i32
      %dma_start3A_236 = tpu.memref_slice %arg4[%add3A_234, %dma_start3A_235] : memref<204800x128xf32, #tpu.memory_space<hbm>> -> memref<64x128xf32, #tpu.memory_space<hbm>>
      %dma_start3A_237 = arith.constant 0 : i32
      %dma_start3A_238 = tpu.memref_slice %arg4[%add3A_234, %dma_start3A_237] : memref<204800x128xf32, #tpu.memory_space<hbm>> -> memref<64x128xf32, #tpu.memory_space<hbm>>
      tpu.enqueue_dma source(%arg11 : memref<64x128xf32, #tpu.memory_space<vmem>>) target(%dma_start3A_238 : memref<64x128xf32, #tpu.memory_space<hbm>>) target_semaphore(%arg31 : memref<!tpu.dma_semaphore, #tpu.memory_space<semaphore_mem>>)
      %mul3A_239 = arith.constant 10 : i32
      %mul3A_240 = arith.muli %scan3A_136, %mul3A_239 : i32
      %add3A_241 = arith.constant 6 : i32
      %add3A_242 = arith.addi %mul3A_240, %add3A_241 : i32
      %dma_wait3A_243 = arith.constant 0 : i32
      %dma_wait3A_244 = arith.constant 0 : i32
      %dma_wait3A_245 = tpu.memref_slice %arg3[%dma_wait3A_243, %dma_wait3A_244] : memref<100000x128xf32, #tpu.memory_space<hbm>> -> memref<64x128xf32, #tpu.memory_space<hbm>>
      %dma_wait3A_246 = arith.constant 0 : i32
      %dma_wait3A_247 = arith.constant 0 : i32
      %dma_wait3A_248 = tpu.memref_slice %arg3[%dma_wait3A_246, %dma_wait3A_247] : memref<100000x128xf32, #tpu.memory_space<hbm>> -> memref<64x128xf32, #tpu.memory_space<hbm>>
      tpu.wait_dma2 semaphore(%arg22 : memref<!tpu.dma_semaphore, #tpu.memory_space<semaphore_mem>>) src(%dma_wait3A_248 : memref<64x128xf32, #tpu.memory_space<hbm>>) dst(%arg12 : memref<64x128xf32, #tpu.memory_space<vmem>>)
      %mul3A_249 = arith.constant 64 : i32
      %mul3A_250 = arith.muli %add3A_242, %mul3A_249 : i32
      %add3A_251 = arith.addi %mul3A_2, %mul3A_250 : i32
      %dma_start3A_252 = arith.constant 0 : i32
      %dma_start3A_253 = tpu.memref_slice %arg4[%add3A_251, %dma_start3A_252] : memref<204800x128xf32, #tpu.memory_space<hbm>> -> memref<64x128xf32, #tpu.memory_space<hbm>>
      %dma_start3A_254 = arith.constant 0 : i32
      %dma_start3A_255 = tpu.memref_slice %arg4[%add3A_251, %dma_start3A_254] : memref<204800x128xf32, #tpu.memory_space<hbm>> -> memref<64x128xf32, #tpu.memory_space<hbm>>
      tpu.enqueue_dma source(%arg12 : memref<64x128xf32, #tpu.memory_space<vmem>>) target(%dma_start3A_255 : memref<64x128xf32, #tpu.memory_space<hbm>>) target_semaphore(%arg32 : memref<!tpu.dma_semaphore, #tpu.memory_space<semaphore_mem>>)
      %mul3A_256 = arith.constant 10 : i32
      %mul3A_257 = arith.muli %scan3A_136, %mul3A_256 : i32
      %add3A_258 = arith.constant 7 : i32
      %add3A_259 = arith.addi %mul3A_257, %add3A_258 : i32
      %dma_wait3A_260 = arith.constant 0 : i32
      %dma_wait3A_261 = arith.constant 0 : i32
      %dma_wait3A_262 = tpu.memref_slice %arg3[%dma_wait3A_260, %dma_wait3A_261] : memref<100000x128xf32, #tpu.memory_space<hbm>> -> memref<64x128xf32, #tpu.memory_space<hbm>>
      %dma_wait3A_263 = arith.constant 0 : i32
      %dma_wait3A_264 = arith.constant 0 : i32
      %dma_wait3A_265 = tpu.memref_slice %arg3[%dma_wait3A_263, %dma_wait3A_264] : memref<100000x128xf32, #tpu.memory_space<hbm>> -> memref<64x128xf32, #tpu.memory_space<hbm>>
      tpu.wait_dma2 semaphore(%arg23 : memref<!tpu.dma_semaphore, #tpu.memory_space<semaphore_mem>>) src(%dma_wait3A_265 : memref<64x128xf32, #tpu.memory_space<hbm>>) dst(%arg13 : memref<64x128xf32, #tpu.memory_space<vmem>>)
      %mul3A_266 = arith.constant 64 : i32
      %mul3A_267 = arith.muli %add3A_259, %mul3A_266 : i32
      %add3A_268 = arith.addi %mul3A_2, %mul3A_267 : i32
      %dma_start3A_269 = arith.constant 0 : i32
      %dma_start3A_270 = tpu.memref_slice %arg4[%add3A_268, %dma_start3A_269] : memref<204800x128xf32, #tpu.memory_space<hbm>> -> memref<64x128xf32, #tpu.memory_space<hbm>>
      %dma_start3A_271 = arith.constant 0 : i32
      %dma_start3A_272 = tpu.memref_slice %arg4[%add3A_268, %dma_start3A_271] : memref<204800x128xf32, #tpu.memory_space<hbm>> -> memref<64x128xf32, #tpu.memory_space<hbm>>
      tpu.enqueue_dma source(%arg13 : memref<64x128xf32, #tpu.memory_space<vmem>>) target(%dma_start3A_272 : memref<64x128xf32, #tpu.memory_space<hbm>>) target_semaphore(%arg33 : memref<!tpu.dma_semaphore, #tpu.memory_space<semaphore_mem>>)
      %mul3A_273 = arith.constant 10 : i32
      %mul3A_274 = arith.muli %scan3A_136, %mul3A_273 : i32
      %add3A_275 = arith.constant 8 : i32
      %add3A_276 = arith.addi %mul3A_274, %add3A_275 : i32
      %dma_wait3A_277 = arith.constant 0 : i32
      %dma_wait3A_278 = arith.constant 0 : i32
      %dma_wait3A_279 = tpu.memref_slice %arg3[%dma_wait3A_277, %dma_wait3A_278] : memref<100000x128xf32, #tpu.memory_space<hbm>> -> memref<64x128xf32, #tpu.memory_space<hbm>>
      %dma_wait3A_280 = arith.constant 0 : i32
      %dma_wait3A_281 = arith.constant 0 : i32
      %dma_wait3A_282 = tpu.memref_slice %arg3[%dma_wait3A_280, %dma_wait3A_281] : memref<100000x128xf32, #tpu.memory_space<hbm>> -> memref<64x128xf32, #tpu.memory_space<hbm>>
      tpu.wait_dma2 semaphore(%arg24 : memref<!tpu.dma_semaphore, #tpu.memory_space<semaphore_mem>>) src(%dma_wait3A_282 : memref<64x128xf32, #tpu.memory_space<hbm>>) dst(%arg14 : memref<64x128xf32, #tpu.memory_space<vmem>>)
      %mul3A_283 = arith.constant 64 : i32
      %mul3A_284 = arith.muli %add3A_276, %mul3A_283 : i32
      %add3A_285 = arith.addi %mul3A_2, %mul3A_284 : i32
      %dma_start3A_286 = arith.constant 0 : i32
      %dma_start3A_287 = tpu.memref_slice %arg4[%add3A_285, %dma_start3A_286] : memref<204800x128xf32, #tpu.memory_space<hbm>> -> memref<64x128xf32, #tpu.memory_space<hbm>>
      %dma_start3A_288 = arith.constant 0 : i32
      %dma_start3A_289 = tpu.memref_slice %arg4[%add3A_285, %dma_start3A_288] : memref<204800x128xf32, #tpu.memory_space<hbm>> -> memref<64x128xf32, #tpu.memory_space<hbm>>
      tpu.enqueue_dma source(%arg14 : memref<64x128xf32, #tpu.memory_space<vmem>>) target(%dma_start3A_289 : memref<64x128xf32, #tpu.memory_space<hbm>>) target_semaphore(%arg34 : memref<!tpu.dma_semaphore, #tpu.memory_space<semaphore_mem>>)
      %mul3A_290 = arith.constant 10 : i32
      %mul3A_291 = arith.muli %scan3A_136, %mul3A_290 : i32
      %add3A_292 = arith.constant 9 : i32
      %add3A_293 = arith.addi %mul3A_291, %add3A_292 : i32
      %dma_wait3A_294 = arith.constant 0 : i32
      %dma_wait3A_295 = arith.constant 0 : i32
      %dma_wait3A_296 = tpu.memref_slice %arg3[%dma_wait3A_294, %dma_wait3A_295] : memref<100000x128xf32, #tpu.memory_space<hbm>> -> memref<64x128xf32, #tpu.memory_space<hbm>>
      %dma_wait3A_297 = arith.constant 0 : i32
      %dma_wait3A_298 = arith.constant 0 : i32
      %dma_wait3A_299 = tpu.memref_slice %arg3[%dma_wait3A_297, %dma_wait3A_298] : memref<100000x128xf32, #tpu.memory_space<hbm>> -> memref<64x128xf32, #tpu.memory_space<hbm>>
      tpu.wait_dma2 semaphore(%arg25 : memref<!tpu.dma_semaphore, #tpu.memory_space<semaphore_mem>>) src(%dma_wait3A_299 : memref<64x128xf32, #tpu.memory_space<hbm>>) dst(%arg15 : memref<64x128xf32, #tpu.memory_space<vmem>>)
      %mul3A_300 = arith.constant 64 : i32
      %mul3A_301 = arith.muli %add3A_293, %mul3A_300 : i32
      %add3A_302 = arith.addi %mul3A_2, %mul3A_301 : i32
      %dma_start3A_303 = arith.constant 0 : i32
      %dma_start3A_304 = tpu.memref_slice %arg4[%add3A_302, %dma_start3A_303] : memref<204800x128xf32, #tpu.memory_space<hbm>> -> memref<64x128xf32, #tpu.memory_space<hbm>>
      %dma_start3A_305 = arith.constant 0 : i32
      %dma_start3A_306 = tpu.memref_slice %arg4[%add3A_302, %dma_start3A_305] : memref<204800x128xf32, #tpu.memory_space<hbm>> -> memref<64x128xf32, #tpu.memory_space<hbm>>
      tpu.enqueue_dma source(%arg15 : memref<64x128xf32, #tpu.memory_space<vmem>>) target(%dma_start3A_306 : memref<64x128xf32, #tpu.memory_space<hbm>>) target_semaphore(%arg35 : memref<!tpu.dma_semaphore, #tpu.memory_space<semaphore_mem>>)
      %lt3A = arith.constant 9 : i32
      %lt3A_307 = arith.cmpi slt, %scan3A_136, %lt3A : i32
      %convert_element_type3A = arith.extui %lt3A_307 : i1 to i32
      %cond3A = arith.constant 0 : i32
      %cond3A_308 = arith.cmpi ne, %convert_element_type3A, %cond3A : i32
      scf.if %cond3A_308 {
        %dma_wait3A_309 = arith.constant 0 : i32
        %dma_wait3A_310 = arith.constant 0 : i32
        %dma_wait3A_311 = tpu.memref_slice %arg4[%dma_wait3A_309, %dma_wait3A_310] : memref<204800x128xf32, #tpu.memory_space<hbm>> -> memref<64x128xf32, #tpu.memory_space<hbm>>
        %dma_wait3A_312 = arith.constant 0 : i32
        %dma_wait3A_313 = arith.constant 0 : i32
        %dma_wait3A_314 = tpu.memref_slice %arg4[%dma_wait3A_312, %dma_wait3A_313] : memref<204800x128xf32, #tpu.memory_space<hbm>> -> memref<64x128xf32, #tpu.memory_space<hbm>>
        tpu.wait_dma2 semaphore(%arg26 : memref<!tpu.dma_semaphore, #tpu.memory_space<semaphore_mem>>) src(%arg6 : memref<64x128xf32, #tpu.memory_space<vmem>>) dst(%dma_wait3A_314 : memref<64x128xf32, #tpu.memory_space<hbm>>)
        %add3A_315 = arith.constant 1 : i32
        %add3A_316 = arith.addi %scan3A_136, %add3A_315 : i32
        %mul3A_317 = arith.constant 10 : i32
        %mul3A_318 = arith.muli %add3A_316, %mul3A_317 : i32
        %add3A_319 = arith.constant 0 : i32
        %add3A_320 = arith.addi %mul3A_318, %add3A_319 : i32
        %dma_start3A_321 = arith.constant 0 : i32
        %dma_start3A_322 = tpu.memref_slice %arg5[%add3A_320, %dma_start3A_321] : memref<100x64xi32, #tpu.memory_space<vmem>> -> memref<1x64xi32, #tpu.memory_space<vmem>>
        %dma_start3A_323 = tpu.memref_squeeze %dma_start3A_322 : memref<1x64xi32, #tpu.memory_space<vmem>> -> memref<64xi32, #tpu.memory_space<vmem>>
        %dma_start3A_324 = arith.constant 0 : i32
        %dma_start3A_325 = arith.constant 0 : i32
        %dma_start3A_326 = tpu.memref_slice %arg3[%dma_start3A_324, %dma_start3A_325] : memref<100000x128xf32, #tpu.memory_space<hbm>> -> memref<100000x128xf32, #tpu.memory_space<hbm>>
        tpu.enqueue_indirect_dma source(%dma_start3A_326 : memref<100000x128xf32, #tpu.memory_space<hbm>>) target(%arg6 : memref<64x128xf32, #tpu.memory_space<vmem>>) offsets(%dma_start3A_323 : memref<64xi32, #tpu.memory_space<vmem>>) semaphore(%arg16 : memref<!tpu.dma_semaphore, #tpu.memory_space<semaphore_mem>>)
        %dma_wait3A_327 = arith.constant 0 : i32
        %dma_wait3A_328 = arith.constant 0 : i32
        %dma_wait3A_329 = tpu.memref_slice %arg4[%dma_wait3A_327, %dma_wait3A_328] : memref<204800x128xf32, #tpu.memory_space<hbm>> -> memref<64x128xf32, #tpu.memory_space<hbm>>
        %dma_wait3A_330 = arith.constant 0 : i32
        %dma_wait3A_331 = arith.constant 0 : i32
        %dma_wait3A_332 = tpu.memref_slice %arg4[%dma_wait3A_330, %dma_wait3A_331] : memref<204800x128xf32, #tpu.memory_space<hbm>> -> memref<64x128xf32, #tpu.memory_space<hbm>>
        tpu.wait_dma2 semaphore(%arg27 : memref<!tpu.dma_semaphore, #tpu.memory_space<semaphore_mem>>) src(%arg7 : memref<64x128xf32, #tpu.memory_space<vmem>>) dst(%dma_wait3A_332 : memref<64x128xf32, #tpu.memory_space<hbm>>)
        %add3A_333 = arith.constant 1 : i32
        %add3A_334 = arith.addi %scan3A_136, %add3A_333 : i32
        %mul3A_335 = arith.constant 10 : i32
        %mul3A_336 = arith.muli %add3A_334, %mul3A_335 : i32
        %add3A_337 = arith.constant 1 : i32
        %add3A_338 = arith.addi %mul3A_336, %add3A_337 : i32
        %dma_start3A_339 = arith.constant 0 : i32
        %dma_start3A_340 = tpu.memref_slice %arg5[%add3A_338, %dma_start3A_339] : memref<100x64xi32, #tpu.memory_space<vmem>> -> memref<1x64xi32, #tpu.memory_space<vmem>>
        %dma_start3A_341 = tpu.memref_squeeze %dma_start3A_340 : memref<1x64xi32, #tpu.memory_space<vmem>> -> memref<64xi32, #tpu.memory_space<vmem>>
        %dma_start3A_342 = arith.constant 0 : i32
        %dma_start3A_343 = arith.constant 0 : i32
        %dma_start3A_344 = tpu.memref_slice %arg3[%dma_start3A_342, %dma_start3A_343] : memref<100000x128xf32, #tpu.memory_space<hbm>> -> memref<100000x128xf32, #tpu.memory_space<hbm>>
        tpu.enqueue_indirect_dma source(%dma_start3A_344 : memref<100000x128xf32, #tpu.memory_space<hbm>>) target(%arg7 : memref<64x128xf32, #tpu.memory_space<vmem>>) offsets(%dma_start3A_341 : memref<64xi32, #tpu.memory_space<vmem>>) semaphore(%arg17 : memref<!tpu.dma_semaphore, #tpu.memory_space<semaphore_mem>>)
        %dma_wait3A_345 = arith.constant 0 : i32
        %dma_wait3A_346 = arith.constant 0 : i32
        %dma_wait3A_347 = tpu.memref_slice %arg4[%dma_wait3A_345, %dma_wait3A_346] : memref<204800x128xf32, #tpu.memory_space<hbm>> -> memref<64x128xf32, #tpu.memory_space<hbm>>
        %dma_wait3A_348 = arith.constant 0 : i32
        %dma_wait3A_349 = arith.constant 0 : i32
        %dma_wait3A_350 = tpu.memref_slice %arg4[%dma_wait3A_348, %dma_wait3A_349] : memref<204800x128xf32, #tpu.memory_space<hbm>> -> memref<64x128xf32, #tpu.memory_space<hbm>>
        tpu.wait_dma2 semaphore(%arg28 : memref<!tpu.dma_semaphore, #tpu.memory_space<semaphore_mem>>) src(%arg8 : memref<64x128xf32, #tpu.memory_space<vmem>>) dst(%dma_wait3A_350 : memref<64x128xf32, #tpu.memory_space<hbm>>)
        %add3A_351 = arith.constant 1 : i32
        %add3A_352 = arith.addi %scan3A_136, %add3A_351 : i32
        %mul3A_353 = arith.constant 10 : i32
        %mul3A_354 = arith.muli %add3A_352, %mul3A_353 : i32
        %add3A_355 = arith.constant 2 : i32
        %add3A_356 = arith.addi %mul3A_354, %add3A_355 : i32
        %dma_start3A_357 = arith.constant 0 : i32
        %dma_start3A_358 = tpu.memref_slice %arg5[%add3A_356, %dma_start3A_357] : memref<100x64xi32, #tpu.memory_space<vmem>> -> memref<1x64xi32, #tpu.memory_space<vmem>>
        %dma_start3A_359 = tpu.memref_squeeze %dma_start3A_358 : memref<1x64xi32, #tpu.memory_space<vmem>> -> memref<64xi32, #tpu.memory_space<vmem>>
        %dma_start3A_360 = arith.constant 0 : i32
        %dma_start3A_361 = arith.constant 0 : i32
        %dma_start3A_362 = tpu.memref_slice %arg3[%dma_start3A_360, %dma_start3A_361] : memref<100000x128xf32, #tpu.memory_space<hbm>> -> memref<100000x128xf32, #tpu.memory_space<hbm>>
        tpu.enqueue_indirect_dma source(%dma_start3A_362 : memref<100000x128xf32, #tpu.memory_space<hbm>>) target(%arg8 : memref<64x128xf32, #tpu.memory_space<vmem>>) offsets(%dma_start3A_359 : memref<64xi32, #tpu.memory_space<vmem>>) semaphore(%arg18 : memref<!tpu.dma_semaphore, #tpu.memory_space<semaphore_mem>>)
        %dma_wait3A_363 = arith.constant 0 : i32
        %dma_wait3A_364 = arith.constant 0 : i32
        %dma_wait3A_365 = tpu.memref_slice %arg4[%dma_wait3A_363, %dma_wait3A_364] : memref<204800x128xf32, #tpu.memory_space<hbm>> -> memref<64x128xf32, #tpu.memory_space<hbm>>
        %dma_wait3A_366 = arith.constant 0 : i32
        %dma_wait3A_367 = arith.constant 0 : i32
        %dma_wait3A_368 = tpu.memref_slice %arg4[%dma_wait3A_366, %dma_wait3A_367] : memref<204800x128xf32, #tpu.memory_space<hbm>> -> memref<64x128xf32, #tpu.memory_space<hbm>>
        tpu.wait_dma2 semaphore(%arg29 : memref<!tpu.dma_semaphore, #tpu.memory_space<semaphore_mem>>) src(%arg9 : memref<64x128xf32, #tpu.memory_space<vmem>>) dst(%dma_wait3A_368 : memref<64x128xf32, #tpu.memory_space<hbm>>)
        %add3A_369 = arith.constant 1 : i32
        %add3A_370 = arith.addi %scan3A_136, %add3A_369 : i32
        %mul3A_371 = arith.constant 10 : i32
        %mul3A_372 = arith.muli %add3A_370, %mul3A_371 : i32
        %add3A_373 = arith.constant 3 : i32
        %add3A_374 = arith.addi %mul3A_372, %add3A_373 : i32
        %dma_start3A_375 = arith.constant 0 : i32
        %dma_start3A_376 = tpu.memref_slice %arg5[%add3A_374, %dma_start3A_375] : memref<100x64xi32, #tpu.memory_space<vmem>> -> memref<1x64xi32, #tpu.memory_space<vmem>>
        %dma_start3A_377 = tpu.memref_squeeze %dma_start3A_376 : memref<1x64xi32, #tpu.memory_space<vmem>> -> memref<64xi32, #tpu.memory_space<vmem>>
        %dma_start3A_378 = arith.constant 0 : i32
        %dma_start3A_379 = arith.constant 0 : i32
        %dma_start3A_380 = tpu.memref_slice %arg3[%dma_start3A_378, %dma_start3A_379] : memref<100000x128xf32, #tpu.memory_space<hbm>> -> memref<100000x128xf32, #tpu.memory_space<hbm>>
        tpu.enqueue_indirect_dma source(%dma_start3A_380 : memref<100000x128xf32, #tpu.memory_space<hbm>>) target(%arg9 : memref<64x128xf32, #tpu.memory_space<vmem>>) offsets(%dma_start3A_377 : memref<64xi32, #tpu.memory_space<vmem>>) semaphore(%arg19 : memref<!tpu.dma_semaphore, #tpu.memory_space<semaphore_mem>>)
        %dma_wait3A_381 = arith.constant 0 : i32
        %dma_wait3A_382 = arith.constant 0 : i32
        %dma_wait3A_383 = tpu.memref_slice %arg4[%dma_wait3A_381, %dma_wait3A_382] : memref<204800x128xf32, #tpu.memory_space<hbm>> -> memref<64x128xf32, #tpu.memory_space<hbm>>
        %dma_wait3A_384 = arith.constant 0 : i32
        %dma_wait3A_385 = arith.constant 0 : i32
        %dma_wait3A_386 = tpu.memref_slice %arg4[%dma_wait3A_384, %dma_wait3A_385] : memref<204800x128xf32, #tpu.memory_space<hbm>> -> memref<64x128xf32, #tpu.memory_space<hbm>>
        tpu.wait_dma2 semaphore(%arg30 : memref<!tpu.dma_semaphore, #tpu.memory_space<semaphore_mem>>) src(%arg10 : memref<64x128xf32, #tpu.memory_space<vmem>>) dst(%dma_wait3A_386 : memref<64x128xf32, #tpu.memory_space<hbm>>)
        %add3A_387 = arith.constant 1 : i32
        %add3A_388 = arith.addi %scan3A_136, %add3A_387 : i32
        %mul3A_389 = arith.constant 10 : i32
        %mul3A_390 = arith.muli %add3A_388, %mul3A_389 : i32
        %add3A_391 = arith.constant 4 : i32
        %add3A_392 = arith.addi %mul3A_390, %add3A_391 : i32
        %dma_start3A_393 = arith.constant 0 : i32
        %dma_start3A_394 = tpu.memref_slice %arg5[%add3A_392, %dma_start3A_393] : memref<100x64xi32, #tpu.memory_space<vmem>> -> memref<1x64xi32, #tpu.memory_space<vmem>>
        %dma_start3A_395 = tpu.memref_squeeze %dma_start3A_394 : memref<1x64xi32, #tpu.memory_space<vmem>> -> memref<64xi32, #tpu.memory_space<vmem>>
        %dma_start3A_396 = arith.constant 0 : i32
        %dma_start3A_397 = arith.constant 0 : i32
        %dma_start3A_398 = tpu.memref_slice %arg3[%dma_start3A_396, %dma_start3A_397] : memref<100000x128xf32, #tpu.memory_space<hbm>> -> memref<100000x128xf32, #tpu.memory_space<hbm>>
        tpu.enqueue_indirect_dma source(%dma_start3A_398 : memref<100000x128xf32, #tpu.memory_space<hbm>>) target(%arg10 : memref<64x128xf32, #tpu.memory_space<vmem>>) offsets(%dma_start3A_395 : memref<64xi32, #tpu.memory_space<vmem>>) semaphore(%arg20 : memref<!tpu.dma_semaphore, #tpu.memory_space<semaphore_mem>>)
        %dma_wait3A_399 = arith.constant 0 : i32
        %dma_wait3A_400 = arith.constant 0 : i32
        %dma_wait3A_401 = tpu.memref_slice %arg4[%dma_wait3A_399, %dma_wait3A_400] : memref<204800x128xf32, #tpu.memory_space<hbm>> -> memref<64x128xf32, #tpu.memory_space<hbm>>
        %dma_wait3A_402 = arith.constant 0 : i32
        %dma_wait3A_403 = arith.constant 0 : i32
        %dma_wait3A_404 = tpu.memref_slice %arg4[%dma_wait3A_402, %dma_wait3A_403] : memref<204800x128xf32, #tpu.memory_space<hbm>> -> memref<64x128xf32, #tpu.memory_space<hbm>>
        tpu.wait_dma2 semaphore(%arg31 : memref<!tpu.dma_semaphore, #tpu.memory_space<semaphore_mem>>) src(%arg11 : memref<64x128xf32, #tpu.memory_space<vmem>>) dst(%dma_wait3A_404 : memref<64x128xf32, #tpu.memory_space<hbm>>)
        %add3A_405 = arith.constant 1 : i32
        %add3A_406 = arith.addi %scan3A_136, %add3A_405 : i32
        %mul3A_407 = arith.constant 10 : i32
        %mul3A_408 = arith.muli %add3A_406, %mul3A_407 : i32
        %add3A_409 = arith.constant 5 : i32
        %add3A_410 = arith.addi %mul3A_408, %add3A_409 : i32
        %dma_start3A_411 = arith.constant 0 : i32
        %dma_start3A_412 = tpu.memref_slice %arg5[%add3A_410, %dma_start3A_411] : memref<100x64xi32, #tpu.memory_space<vmem>> -> memref<1x64xi32, #tpu.memory_space<vmem>>
        %dma_start3A_413 = tpu.memref_squeeze %dma_start3A_412 : memref<1x64xi32, #tpu.memory_space<vmem>> -> memref<64xi32, #tpu.memory_space<vmem>>
        %dma_start3A_414 = arith.constant 0 : i32
        %dma_start3A_415 = arith.constant 0 : i32
        %dma_start3A_416 = tpu.memref_slice %arg3[%dma_start3A_414, %dma_start3A_415] : memref<100000x128xf32, #tpu.memory_space<hbm>> -> memref<100000x128xf32, #tpu.memory_space<hbm>>
        tpu.enqueue_indirect_dma source(%dma_start3A_416 : memref<100000x128xf32, #tpu.memory_space<hbm>>) target(%arg11 : memref<64x128xf32, #tpu.memory_space<vmem>>) offsets(%dma_start3A_413 : memref<64xi32, #tpu.memory_space<vmem>>) semaphore(%arg21 : memref<!tpu.dma_semaphore, #tpu.memory_space<semaphore_mem>>)
        %dma_wait3A_417 = arith.constant 0 : i32
        %dma_wait3A_418 = arith.constant 0 : i32
        %dma_wait3A_419 = tpu.memref_slice %arg4[%dma_wait3A_417, %dma_wait3A_418] : memref<204800x128xf32, #tpu.memory_space<hbm>> -> memref<64x128xf32, #tpu.memory_space<hbm>>
        %dma_wait3A_420 = arith.constant 0 : i32
        %dma_wait3A_421 = arith.constant 0 : i32
        %dma_wait3A_422 = tpu.memref_slice %arg4[%dma_wait3A_420, %dma_wait3A_421] : memref<204800x128xf32, #tpu.memory_space<hbm>> -> memref<64x128xf32, #tpu.memory_space<hbm>>
        tpu.wait_dma2 semaphore(%arg32 : memref<!tpu.dma_semaphore, #tpu.memory_space<semaphore_mem>>) src(%arg12 : memref<64x128xf32, #tpu.memory_space<vmem>>) dst(%dma_wait3A_422 : memref<64x128xf32, #tpu.memory_space<hbm>>)
        %add3A_423 = arith.constant 1 : i32
        %add3A_424 = arith.addi %scan3A_136, %add3A_423 : i32
        %mul3A_425 = arith.constant 10 : i32
        %mul3A_426 = arith.muli %add3A_424, %mul3A_425 : i32
        %add3A_427 = arith.constant 6 : i32
        %add3A_428 = arith.addi %mul3A_426, %add3A_427 : i32
        %dma_start3A_429 = arith.constant 0 : i32
        %dma_start3A_430 = tpu.memref_slice %arg5[%add3A_428, %dma_start3A_429] : memref<100x64xi32, #tpu.memory_space<vmem>> -> memref<1x64xi32, #tpu.memory_space<vmem>>
        %dma_start3A_431 = tpu.memref_squeeze %dma_start3A_430 : memref<1x64xi32, #tpu.memory_space<vmem>> -> memref<64xi32, #tpu.memory_space<vmem>>
        %dma_start3A_432 = arith.constant 0 : i32
        %dma_start3A_433 = arith.constant 0 : i32
        %dma_start3A_434 = tpu.memref_slice %arg3[%dma_start3A_432, %dma_start3A_433] : memref<100000x128xf32, #tpu.memory_space<hbm>> -> memref<100000x128xf32, #tpu.memory_space<hbm>>
        tpu.enqueue_indirect_dma source(%dma_start3A_434 : memref<100000x128xf32, #tpu.memory_space<hbm>>) target(%arg12 : memref<64x128xf32, #tpu.memory_space<vmem>>) offsets(%dma_start3A_431 : memref<64xi32, #tpu.memory_space<vmem>>) semaphore(%arg22 : memref<!tpu.dma_semaphore, #tpu.memory_space<semaphore_mem>>)
        %dma_wait3A_435 = arith.constant 0 : i32
        %dma_wait3A_436 = arith.constant 0 : i32
        %dma_wait3A_437 = tpu.memref_slice %arg4[%dma_wait3A_435, %dma_wait3A_436] : memref<204800x128xf32, #tpu.memory_space<hbm>> -> memref<64x128xf32, #tpu.memory_space<hbm>>
        %dma_wait3A_438 = arith.constant 0 : i32
        %dma_wait3A_439 = arith.constant 0 : i32
        %dma_wait3A_440 = tpu.memref_slice %arg4[%dma_wait3A_438, %dma_wait3A_439] : memref<204800x128xf32, #tpu.memory_space<hbm>> -> memref<64x128xf32, #tpu.memory_space<hbm>>
        tpu.wait_dma2 semaphore(%arg33 : memref<!tpu.dma_semaphore, #tpu.memory_space<semaphore_mem>>) src(%arg13 : memref<64x128xf32, #tpu.memory_space<vmem>>) dst(%dma_wait3A_440 : memref<64x128xf32, #tpu.memory_space<hbm>>)
        %add3A_441 = arith.constant 1 : i32
        %add3A_442 = arith.addi %scan3A_136, %add3A_441 : i32
        %mul3A_443 = arith.constant 10 : i32
        %mul3A_444 = arith.muli %add3A_442, %mul3A_443 : i32
        %add3A_445 = arith.constant 7 : i32
        %add3A_446 = arith.addi %mul3A_444, %add3A_445 : i32
        %dma_start3A_447 = arith.constant 0 : i32
        %dma_start3A_448 = tpu.memref_slice %arg5[%add3A_446, %dma_start3A_447] : memref<100x64xi32, #tpu.memory_space<vmem>> -> memref<1x64xi32, #tpu.memory_space<vmem>>
        %dma_start3A_449 = tpu.memref_squeeze %dma_start3A_448 : memref<1x64xi32, #tpu.memory_space<vmem>> -> memref<64xi32, #tpu.memory_space<vmem>>
        %dma_start3A_450 = arith.constant 0 : i32
        %dma_start3A_451 = arith.constant 0 : i32
        %dma_start3A_452 = tpu.memref_slice %arg3[%dma_start3A_450, %dma_start3A_451] : memref<100000x128xf32, #tpu.memory_space<hbm>> -> memref<100000x128xf32, #tpu.memory_space<hbm>>
        tpu.enqueue_indirect_dma source(%dma_start3A_452 : memref<100000x128xf32, #tpu.memory_space<hbm>>) target(%arg13 : memref<64x128xf32, #tpu.memory_space<vmem>>) offsets(%dma_start3A_449 : memref<64xi32, #tpu.memory_space<vmem>>) semaphore(%arg23 : memref<!tpu.dma_semaphore, #tpu.memory_space<semaphore_mem>>)
        %dma_wait3A_453 = arith.constant 0 : i32
        %dma_wait3A_454 = arith.constant 0 : i32
        %dma_wait3A_455 = tpu.memref_slice %arg4[%dma_wait3A_453, %dma_wait3A_454] : memref<204800x128xf32, #tpu.memory_space<hbm>> -> memref<64x128xf32, #tpu.memory_space<hbm>>
        %dma_wait3A_456 = arith.constant 0 : i32
        %dma_wait3A_457 = arith.constant 0 : i32
        %dma_wait3A_458 = tpu.memref_slice %arg4[%dma_wait3A_456, %dma_wait3A_457] : memref<204800x128xf32, #tpu.memory_space<hbm>> -> memref<64x128xf32, #tpu.memory_space<hbm>>
        tpu.wait_dma2 semaphore(%arg34 : memref<!tpu.dma_semaphore, #tpu.memory_space<semaphore_mem>>) src(%arg14 : memref<64x128xf32, #tpu.memory_space<vmem>>) dst(%dma_wait3A_458 : memref<64x128xf32, #tpu.memory_space<hbm>>)
        %add3A_459 = arith.constant 1 : i32
        %add3A_460 = arith.addi %scan3A_136, %add3A_459 : i32
        %mul3A_461 = arith.constant 10 : i32
        %mul3A_462 = arith.muli %add3A_460, %mul3A_461 : i32
        %add3A_463 = arith.constant 8 : i32
        %add3A_464 = arith.addi %mul3A_462, %add3A_463 : i32
        %dma_start3A_465 = arith.constant 0 : i32
        %dma_start3A_466 = tpu.memref_slice %arg5[%add3A_464, %dma_start3A_465] : memref<100x64xi32, #tpu.memory_space<vmem>> -> memref<1x64xi32, #tpu.memory_space<vmem>>
        %dma_start3A_467 = tpu.memref_squeeze %dma_start3A_466 : memref<1x64xi32, #tpu.memory_space<vmem>> -> memref<64xi32, #tpu.memory_space<vmem>>
        %dma_start3A_468 = arith.constant 0 : i32
        %dma_start3A_469 = arith.constant 0 : i32
        %dma_start3A_470 = tpu.memref_slice %arg3[%dma_start3A_468, %dma_start3A_469] : memref<100000x128xf32, #tpu.memory_space<hbm>> -> memref<100000x128xf32, #tpu.memory_space<hbm>>
        tpu.enqueue_indirect_dma source(%dma_start3A_470 : memref<100000x128xf32, #tpu.memory_space<hbm>>) target(%arg14 : memref<64x128xf32, #tpu.memory_space<vmem>>) offsets(%dma_start3A_467 : memref<64xi32, #tpu.memory_space<vmem>>) semaphore(%arg24 : memref<!tpu.dma_semaphore, #tpu.memory_space<semaphore_mem>>)
        %dma_wait3A_471 = arith.constant 0 : i32
        %dma_wait3A_472 = arith.constant 0 : i32
        %dma_wait3A_473 = tpu.memref_slice %arg4[%dma_wait3A_471, %dma_wait3A_472] : memref<204800x128xf32, #tpu.memory_space<hbm>> -> memref<64x128xf32, #tpu.memory_space<hbm>>
        %dma_wait3A_474 = arith.constant 0 : i32
        %dma_wait3A_475 = arith.constant 0 : i32
        %dma_wait3A_476 = tpu.memref_slice %arg4[%dma_wait3A_474, %dma_wait3A_475] : memref<204800x128xf32, #tpu.memory_space<hbm>> -> memref<64x128xf32, #tpu.memory_space<hbm>>
        tpu.wait_dma2 semaphore(%arg35 : memref<!tpu.dma_semaphore, #tpu.memory_space<semaphore_mem>>) src(%arg15 : memref<64x128xf32, #tpu.memory_space<vmem>>) dst(%dma_wait3A_476 : memref<64x128xf32, #tpu.memory_space<hbm>>)
        %add3A_477 = arith.constant 1 : i32
        %add3A_478 = arith.addi %scan3A_136, %add3A_477 : i32
        %mul3A_479 = arith.constant 10 : i32
        %mul3A_480 = arith.muli %add3A_478, %mul3A_479 : i32
        %add3A_481 = arith.constant 9 : i32
        %add3A_482 = arith.addi %mul3A_480, %add3A_481 : i32
        %dma_start3A_483 = arith.constant 0 : i32
        %dma_start3A_484 = tpu.memref_slice %arg5[%add3A_482, %dma_start3A_483] : memref<100x64xi32, #tpu.memory_space<vmem>> -> memref<1x64xi32, #tpu.memory_space<vmem>>
        %dma_start3A_485 = tpu.memref_squeeze %dma_start3A_484 : memref<1x64xi32, #tpu.memory_space<vmem>> -> memref<64xi32, #tpu.memory_space<vmem>>
        %dma_start3A_486 = arith.constant 0 : i32
        %dma_start3A_487 = arith.constant 0 : i32
        %dma_start3A_488 = tpu.memref_slice %arg3[%dma_start3A_486, %dma_start3A_487] : memref<100000x128xf32, #tpu.memory_space<hbm>> -> memref<100000x128xf32, #tpu.memory_space<hbm>>
        tpu.enqueue_indirect_dma source(%dma_start3A_488 : memref<100000x128xf32, #tpu.memory_space<hbm>>) target(%arg15 : memref<64x128xf32, #tpu.memory_space<vmem>>) offsets(%dma_start3A_485 : memref<64xi32, #tpu.memory_space<vmem>>) semaphore(%arg25 : memref<!tpu.dma_semaphore, #tpu.memory_space<semaphore_mem>>)
      } else {
      }
    }
    %scan3A_76 = arith.constant 10 : i32
    %dma_wait3A = arith.constant 0 : i32
    %dma_wait3A_77 = arith.constant 0 : i32
    %dma_wait3A_78 = tpu.memref_slice %arg4[%dma_wait3A, %dma_wait3A_77] : memref<204800x128xf32, #tpu.memory_space<hbm>> -> memref<64x128xf32, #tpu.memory_space<hbm>>
    %dma_wait3A_79 = arith.constant 0 : i32
    %dma_wait3A_80 = arith.constant 0 : i32
    %dma_wait3A_81 = tpu.memref_slice %arg4[%dma_wait3A_79, %dma_wait3A_80] : memref<204800x128xf32, #tpu.memory_space<hbm>> -> memref<64x128xf32, #tpu.memory_space<hbm>>
    tpu.wait_dma2 semaphore(%arg26 : memref<!tpu.dma_semaphore, #tpu.memory_space<semaphore_mem>>) src(%arg6 : memref<64x128xf32, #tpu.memory_space<vmem>>) dst(%dma_wait3A_81 : memref<64x128xf32, #tpu.memory_space<hbm>>)
    %dma_wait3A_82 = arith.constant 0 : i32
    %dma_wait3A_83 = arith.constant 0 : i32
    %dma_wait3A_84 = tpu.memref_slice %arg4[%dma_wait3A_82, %dma_wait3A_83] : memref<204800x128xf32, #tpu.memory_space<hbm>> -> memref<64x128xf32, #tpu.memory_space<hbm>>
    %dma_wait3A_85 = arith.constant 0 : i32
    %dma_wait3A_86 = arith.constant 0 : i32
    %dma_wait3A_87 = tpu.memref_slice %arg4[%dma_wait3A_85, %dma_wait3A_86] : memref<204800x128xf32, #tpu.memory_space<hbm>> -> memref<64x128xf32, #tpu.memory_space<hbm>>
    tpu.wait_dma2 semaphore(%arg27 : memref<!tpu.dma_semaphore, #tpu.memory_space<semaphore_mem>>) src(%arg7 : memref<64x128xf32, #tpu.memory_space<vmem>>) dst(%dma_wait3A_87 : memref<64x128xf32, #tpu.memory_space<hbm>>)
    %dma_wait3A_88 = arith.constant 0 : i32
    %dma_wait3A_89 = arith.constant 0 : i32
    %dma_wait3A_90 = tpu.memref_slice %arg4[%dma_wait3A_88, %dma_wait3A_89] : memref<204800x128xf32, #tpu.memory_space<hbm>> -> memref<64x128xf32, #tpu.memory_space<hbm>>
    %dma_wait3A_91 = arith.constant 0 : i32
    %dma_wait3A_92 = arith.constant 0 : i32
    %dma_wait3A_93 = tpu.memref_slice %arg4[%dma_wait3A_91, %dma_wait3A_92] : memref<204800x128xf32, #tpu.memory_space<hbm>> -> memref<64x128xf32, #tpu.memory_space<hbm>>
    tpu.wait_dma2 semaphore(%arg28 : memref<!tpu.dma_semaphore, #tpu.memory_space<semaphore_mem>>) src(%arg8 : memref<64x128xf32, #tpu.memory_space<vmem>>) dst(%dma_wait3A_93 : memref<64x128xf32, #tpu.memory_space<hbm>>)
    %dma_wait3A_94 = arith.constant 0 : i32
    %dma_wait3A_95 = arith.constant 0 : i32
    %dma_wait3A_96 = tpu.memref_slice %arg4[%dma_wait3A_94, %dma_wait3A_95] : memref<204800x128xf32, #tpu.memory_space<hbm>> -> memref<64x128xf32, #tpu.memory_space<hbm>>
    %dma_wait3A_97 = arith.constant 0 : i32
    %dma_wait3A_98 = arith.constant 0 : i32
    %dma_wait3A_99 = tpu.memref_slice %arg4[%dma_wait3A_97, %dma_wait3A_98] : memref<204800x128xf32, #tpu.memory_space<hbm>> -> memref<64x128xf32, #tpu.memory_space<hbm>>
    tpu.wait_dma2 semaphore(%arg29 : memref<!tpu.dma_semaphore, #tpu.memory_space<semaphore_mem>>) src(%arg9 : memref<64x128xf32, #tpu.memory_space<vmem>>) dst(%dma_wait3A_99 : memref<64x128xf32, #tpu.memory_space<hbm>>)
    %dma_wait3A_100 = arith.constant 0 : i32
    %dma_wait3A_101 = arith.constant 0 : i32
    %dma_wait3A_102 = tpu.memref_slice %arg4[%dma_wait3A_100, %dma_wait3A_101] : memref<204800x128xf32, #tpu.memory_space<hbm>> -> memref<64x128xf32, #tpu.memory_space<hbm>>
    %dma_wait3A_103 = arith.constant 0 : i32
    %dma_wait3A_104 = arith.constant 0 : i32
    %dma_wait3A_105 = tpu.memref_slice %arg4[%dma_wait3A_103, %dma_wait3A_104] : memref<204800x128xf32, #tpu.memory_space<hbm>> -> memref<64x128xf32, #tpu.memory_space<hbm>>
    tpu.wait_dma2 semaphore(%arg30 : memref<!tpu.dma_semaphore, #tpu.memory_space<semaphore_mem>>) src(%arg10 : memref<64x128xf32, #tpu.memory_space<vmem>>) dst(%dma_wait3A_105 : memref<64x128xf32, #tpu.memory_space<hbm>>)
    %dma_wait3A_106 = arith.constant 0 : i32
    %dma_wait3A_107 = arith.constant 0 : i32
    %dma_wait3A_108 = tpu.memref_slice %arg4[%dma_wait3A_106, %dma_wait3A_107] : memref<204800x128xf32, #tpu.memory_space<hbm>> -> memref<64x128xf32, #tpu.memory_space<hbm>>
    %dma_wait3A_109 = arith.constant 0 : i32
    %dma_wait3A_110 = arith.constant 0 : i32
    %dma_wait3A_111 = tpu.memref_slice %arg4[%dma_wait3A_109, %dma_wait3A_110] : memref<204800x128xf32, #tpu.memory_space<hbm>> -> memref<64x128xf32, #tpu.memory_space<hbm>>
    tpu.wait_dma2 semaphore(%arg31 : memref<!tpu.dma_semaphore, #tpu.memory_space<semaphore_mem>>) src(%arg11 : memref<64x128xf32, #tpu.memory_space<vmem>>) dst(%dma_wait3A_111 : memref<64x128xf32, #tpu.memory_space<hbm>>)
    %dma_wait3A_112 = arith.constant 0 : i32
    %dma_wait3A_113 = arith.constant 0 : i32
    %dma_wait3A_114 = tpu.memref_slice %arg4[%dma_wait3A_112, %dma_wait3A_113] : memref<204800x128xf32, #tpu.memory_space<hbm>> -> memref<64x128xf32, #tpu.memory_space<hbm>>
    %dma_wait3A_115 = arith.constant 0 : i32
    %dma_wait3A_116 = arith.constant 0 : i32
    %dma_wait3A_117 = tpu.memref_slice %arg4[%dma_wait3A_115, %dma_wait3A_116] : memref<204800x128xf32, #tpu.memory_space<hbm>> -> memref<64x128xf32, #tpu.memory_space<hbm>>
    tpu.wait_dma2 semaphore(%arg32 : memref<!tpu.dma_semaphore, #tpu.memory_space<semaphore_mem>>) src(%arg12 : memref<64x128xf32, #tpu.memory_space<vmem>>) dst(%dma_wait3A_117 : memref<64x128xf32, #tpu.memory_space<hbm>>)
    %dma_wait3A_118 = arith.constant 0 : i32
    %dma_wait3A_119 = arith.constant 0 : i32
    %dma_wait3A_120 = tpu.memref_slice %arg4[%dma_wait3A_118, %dma_wait3A_119] : memref<204800x128xf32, #tpu.memory_space<hbm>> -> memref<64x128xf32, #tpu.memory_space<hbm>>
    %dma_wait3A_121 = arith.constant 0 : i32
    %dma_wait3A_122 = arith.constant 0 : i32
    %dma_wait3A_123 = tpu.memref_slice %arg4[%dma_wait3A_121, %dma_wait3A_122] : memref<204800x128xf32, #tpu.memory_space<hbm>> -> memref<64x128xf32, #tpu.memory_space<hbm>>
    tpu.wait_dma2 semaphore(%arg33 : memref<!tpu.dma_semaphore, #tpu.memory_space<semaphore_mem>>) src(%arg13 : memref<64x128xf32, #tpu.memory_space<vmem>>) dst(%dma_wait3A_123 : memref<64x128xf32, #tpu.memory_space<hbm>>)
    %dma_wait3A_124 = arith.constant 0 : i32
    %dma_wait3A_125 = arith.constant 0 : i32
    %dma_wait3A_126 = tpu.memref_slice %arg4[%dma_wait3A_124, %dma_wait3A_125] : memref<204800x128xf32, #tpu.memory_space<hbm>> -> memref<64x128xf32, #tpu.memory_space<hbm>>
    %dma_wait3A_127 = arith.constant 0 : i32
    %dma_wait3A_128 = arith.constant 0 : i32
    %dma_wait3A_129 = tpu.memref_slice %arg4[%dma_wait3A_127, %dma_wait3A_128] : memref<204800x128xf32, #tpu.memory_space<hbm>> -> memref<64x128xf32, #tpu.memory_space<hbm>>
    tpu.wait_dma2 semaphore(%arg34 : memref<!tpu.dma_semaphore, #tpu.memory_space<semaphore_mem>>) src(%arg14 : memref<64x128xf32, #tpu.memory_space<vmem>>) dst(%dma_wait3A_129 : memref<64x128xf32, #tpu.memory_space<hbm>>)
    %dma_wait3A_130 = arith.constant 0 : i32
    %dma_wait3A_131 = arith.constant 0 : i32
    %dma_wait3A_132 = tpu.memref_slice %arg4[%dma_wait3A_130, %dma_wait3A_131] : memref<204800x128xf32, #tpu.memory_space<hbm>> -> memref<64x128xf32, #tpu.memory_space<hbm>>
    %dma_wait3A_133 = arith.constant 0 : i32
    %dma_wait3A_134 = arith.constant 0 : i32
    %dma_wait3A_135 = tpu.memref_slice %arg4[%dma_wait3A_133, %dma_wait3A_134] : memref<204800x128xf32, #tpu.memory_space<hbm>> -> memref<64x128xf32, #tpu.memory_space<hbm>>
    tpu.wait_dma2 semaphore(%arg35 : memref<!tpu.dma_semaphore, #tpu.memory_space<semaphore_mem>>) src(%arg15 : memref<64x128xf32, #tpu.memory_space<vmem>>) dst(%dma_wait3A_135 : memref<64x128xf32, #tpu.memory_space<hbm>>)
    return
  }
}

</mosaic_0001>

<sc_bundles>
// kernel: _lookup.3.cloned.1.call-start
scs
__scs_entry_jumppad:
0x0: {  	(pc) =	sbr.rel $0x88, $3  }
0x1: {  	(tag) =	ssettag $0x0;
	lr =	simm.s32 $0x1  }
0x2: {  	[smem:$0x3F9F] =	sst lr;
	_ =	strace $0xD0000000  }
0x3: {  	_ = 	snop  }
0x4: {  	_ = 	snop  }
0x5: {  	_ = 	snop  }
0x6: {  	_ = 	snop  }
0x7: {  	_ = 	snop  }
__scs_overlays_trampoline_lowered:
0x8: {  	[smem:$0x3FAE] =	sst s0  }
0x9: {  	[smem:$0x3FAF] =	sst s1  }
0xa: {  	[smem:$0x3FB0] =	sst s2  }
0xb: {  	[smem:$0x3FB1] =	sst s3  }
0xc: {  	[smem:$0x3FB2] =	sst s4  }
0xd: {  	[smem:$0x3FB3] =	sst s5  }
0xe: {  	[smem:$0x3FB4] =	sst s6  }
0xf: {  	[smem:$0x3FB5] =	sst s7  }
0x10: {  	[smem:$0x3FB6] =	sst s8  }
0x11: {  	[smem:$0x3FB7] =	sst s9;
	s0 =	simm.s32 @!p0 $0x0  }
0x12: {  	s1 =	sld [smem:$0x3F9D];
	s0 =	simm.s32 @p0 $0x1  }
0x13: {  	[smem:$0x3FB8] =	sst s0;
	s0 =	simm.s32 @!p1 $0x0  }
0x14: {  	s2 =	sld [smem:$0x3F9C];
	s0 =	simm.s32 @p1 $0x1  }
0x15: {  	[smem:$0x3FB9] =	sst s0;
	s0 =	simm.s32 @!p2 $0x0  }
0x16: {  	s3 =	sld [smem:$0x3FDB];
	s0 =	simm.s32 @p2 $0x1  }
0x17: {  	s4 =	simm.s32 $0x1BF5;
	[smem:$0x3FBB] =	sst s0  }
0x18: {  	s0 =	sld [smem:$0x3F9E];
	_ =	swait.ge [sflag:s4], $0x0  }
0x19: {  	s7 =	sld [smem:$0x3F9F]  }
0x1a: {  	s8 =	sadd.s32 $0xFFFFE003, lr  }
0x1b: {  	s9 =	sadd.s32 $0xFFFFFEF7, lr;
	s5 =	simm.s32 $0xFFFFFFFF;
	p2 =	slt.u32 s8, $0xFFFFF086  }
0x1c: {  	p1 =	slt.u32 s9, $0xF7A;
	s5 =	simm.s32 @!p2 $0x0  }
0x1d: {  	s5 =	simm.s32 @p1 $0x1;
	p0 =	seq.s32 s7, s2  }
0x1e: {  	s7 =	smul.u32 @!p0 $0xF7A, s2;
	p2 =	seq.s32 @!p0 s5, $0x0  }
0x1f: {  	s9 =	smul.u32 $0xF7A, s1;
	s8 =	simm.s32 @!p0 $0x1BF5;
	p2 =	por !p2, p0  }
0x20: {  	[sflag:s8] =	ssyncset.s32 @!p0 $0xFFFFF086;
	s6 =	sadd.s32 @!p0 s3, s7;
	s7 =	simm.s32 @!p0 $0x108  }
0x21: {  	s3 =	sadd.s32 s3, s9;
	s6 =	sadd.s32 @!p0 $0x88, s6;
	s7 =	simm.s32 @p2 $0x1082  }
0x22: {  	[simem:s7], [sflag:s8] =	dma.local @!p0 [hbm:s6], $0xF7A  }
0x23: {  	s9 =	sor.u32 $0xD0000000, s2;
	s6 =	simm.s32 $0x108;
	_ =	swait.ge @!p0 [sflag:s8], $0x0  }
0x24: {  	s3 =	sadd.s32 $0x88, s3;
	s6 =	simm.s32 @!p1 $0x1082;
	[sflag:s4] =	ssyncset.s32 $0xFFFFF086  }
0x25: {  	[simem:s6], [sflag:s4] =	dma.local [hbm:s3], $0xF7A  }
0x26: {  	[smem:$0x3F9F] =	sst s1;
	(tag) =	ssettag s2;
	_ =	strace s9  }
0x27: {  	s1 =	sld [smem:$0x3FAF]  }
0x28: {  	s2 =	sld [smem:$0x3FB0]  }
0x29: {  	s4 =	sld [smem:$0x3FB2]  }
0x2a: {  	p0 =	seq.s32 s5, $0x0;
	s5 =	sld [smem:$0x3FB3]  }
0x2b: {  	s6 =	sld [smem:$0x3FB4]  }
0x2c: {  	s7 =	sld [smem:$0x3FB5]  }
0x2d: {  	s3 =	simm.s32 $0x108;
	s8 =	sld [smem:$0x3FB6]  }
0x2e: {  	s3 =	simm.s32 @!p0 $0x1082;
	s9 =	sld [smem:$0x3FB7]  }
0x2f: {  	lr =	sadd.s32 s0, s3;
	s0 =	sld [smem:$0x3FAE]  }
0x30: {  	s3 =	sld [smem:$0x3FB1]  }
0x31: {  	[smem:$0x3FBA] =	sst s10  }
0x32: {  	s10 =	sld [smem:$0x3FB8];
	_ =	sdelay $0x3  }
0x33: {  	p0 =	seq.s32 s10, $0x1;
	s10 =	sld [smem:$0x3FBA];
	_ =	sdelay $0x3  }
0x34: {  	[smem:$0x3FBA] =	sst s10  }
0x35: {  	s10 =	sld [smem:$0x3FB9];
	_ =	sdelay $0x3  }
0x36: {  	p1 =	seq.s32 s10, $0x1;
	s10 =	sld [smem:$0x3FBA];
	_ =	sdelay $0x3  }
0x37: {  	[smem:$0x3FBA] =	sst s10  }
0x38: {  	s10 =	sld [smem:$0x3FBB]  }
0x39: {  	_ = 	snop;
	(pc) =	sbr.ind lr, $3  }
0x3a: {  	_ = 	snop  }
0x3b: {  	_ = 	snop  }
0x3c: {  	p2 =	seq.s32 s10, $0x1;
	s10 =	sld [smem:$0x3FBA]  }
0x3d: {  	_ =	shalt  }
0x3e: {  	_ =	shalt  }
0x3f: {  	_ =	shalt  }
0x40: {  	_ =	shalt  }
0x41: {  	_ =	shalt  }
0x42: {  	_ =	shalt  }
0x43: {  	_ =	shalt  }
0x44: {  	_ =	shalt  }
0x45: {  	_ =	shalt  }
0x46: {  	_ =	shalt  }
0x47: {  	_ =	shalt  }
0x48: {  	_ =	shalt  }
0x49: {  	_ =	shalt  }
0x4a: {  	_ =	shalt  }
0x4b: {  	_ =	shalt  }
0x4c: {  	_ =	shalt  }
0x4d: {  	_ =	shalt  }
0x4e: {  	_ =	shalt  }
0x4f: {  	_ =	shalt  }
0x50: {  	_ =	shalt  }
0x51: {  	_ =	shalt  }
0x52: {  	_ =	shalt  }
0x53: {  	_ =	shalt  }
0x54: {  	_ =	shalt  }
0x55: {  	_ =	shalt  }
0x56: {  	_ =	shalt  }
0x57: {  	_ =	shalt  }
0x58: {  	_ =	shalt  }
0x59: {  	_ =	shalt  }
0x5a: {  	_ =	shalt  }
0x5b: {  	_ =	shalt  }
0x5c: {  	_ =	shalt  }
0x5d: {  	_ =	shalt  }
0x5e: {  	_ =	shalt  }
0x5f: {  	_ =	shalt  }
0x60: {  	_ =	shalt  }
0x61: {  	_ =	shalt  }
0x62: {  	_ =	shalt  }
0x63: {  	_ =	shalt  }
0x64: {  	_ =	shalt  }
0x65: {  	_ =	shalt  }
0x66: {  	_ =	shalt  }
0x67: {  	_ =	shalt  }
0x68: {  	_ =	shalt  }
0x69: {  	_ =	shalt  }
0x6a: {  	_ =	shalt  }
0x6b: {  	_ =	shalt  }
0x6c: {  	_ =	shalt  }
0x6d: {  	_ =	shalt  }
0x6e: {  	_ =	shalt  }
0x6f: {  	_ =	shalt  }
0x70: {  	_ =	shalt  }
0x71: {  	_ =	shalt  }
0x72: {  	_ =	shalt  }
0x73: {  	_ =	shalt  }
0x74: {  	_ =	shalt  }
0x75: {  	_ =	shalt  }
0x76: {  	_ =	shalt  }
0x77: {  	_ =	shalt  }
0x78: {  	_ =	shalt  }
0x79: {  	_ =	shalt  }
0x7a: {  	_ =	shalt  }
0x7b: {  	_ =	shalt  }
0x7c: {  	_ =	shalt  }
0x7d: {  	_ =	shalt  }
0x7e: {  	_ =	shalt  }
0x7f: {  	_ =	shalt  }
0x80: {  	_ =	shalt  }
0x81: {  	_ =	shalt  }
0x82: {  	_ =	shalt  }
0x83: {  	_ =	shalt  }
0x84: {  	_ =	shalt  }
0x85: {  	_ =	shalt  }
0x86: {  	_ =	shalt  }
0x87: {  	_ =	shalt  }
.Lfunc_end0:
.L_simem_size_0:
called_computation_lowered:
.L_overlay_start_0:
0x88: {  	s2 =	sld [smem:$0x3FD9]  }
0x89: {  	s3 =	sld [smem:$0x3FFE];
	_ =	sdelay $0x1  }
0x8a: {  	s1 =	srdreg.scid  }
0x8b: {  	s0 =	sand.u32 $0x1, s1  }
0x8c: {  	s17 =	sshll.u32 s0, $0xA;
	s2 =	sadd.s32 s3, s2  }
0x8d: {  	s2 =	sadd.s32 s2, s17  }
0x8e: {  	[smem:$0x3FC6] =	sst s2  }
0x8f: {  	_ = 	snop  }
0x90: {  	s2 =	sld [smem:$0x3FC8]  }
0x91: {  	s18 =	sld [smem:$0x3FD0];
	(tm) =	ssettm $0x1  }
0x92: {  	s4 =	sld [smem:$0x3FFB];
	_ =	sdelay $0x3  }
0x93: {  	_ =	strace s4  }
0x94: {  	s4 =	sld [smem:$0x3FFC];
	_ =	sdelay $0x3  }
0x95: {  	_ =	strace s4  }
0x96: {  	s4 =	sld [smem:$0x3FFD];
	_ =	sdelay $0x3  }
0x97: {  	_ =	strace s4  }
0x98: {  	_ =	strace $0x8FFFFFFF  }
0x99: {  	s19 =	sld [smem:$0x3FDB];
	_ =	sdelay $0x1  }
0x9a: {  	s5 =	simm.s32 $_scs_section_size  }
0x9b: {  	s6 =	simm.s32 $_size__tile_overlayer_lowered;
	s7 =	simm.s32 $_tile_overlayer_lowered  }
0x9c: {  	s22 =	simm.s32 $0x1BFF;
	s21 =	sshll.u32 s7, $0x1;
	s4 =	sadd.s32 s5, s19  }
0x9d: {  	s8 =	simm.s32 $0x0;
	s20 =	sshll.u32 s6, $0x1;
	s6 =	sadd.s32 s21, s4  }
0x9e: {  	[timem:s8], [sflag:s22] =	dma.local [hbm:s6], s20  }
0x9f: {  	_ =	swait.ge [sflag:s22], s20  }
0xa0: {  	s5 =	ssub.s32 $0x0, s20;
	[sflag:s22] =	ssyncset.done $0x0  }
0xa1: {  	[sflag:s22] =	ssyncadd.s32 s5;
	_ =	sdelay $0x1  }
0xa2: {  	s23 =	simm.s32 $0x1B8B  }
0xa3: {  	_ =	swait.ge [sflag:s23], $0x1  }
0xa4: {  	[sflag:s23] =	ssyncset.done $0x0  }
0xa5: {  	s25 =	simm.s32 $0x1B8E;
	s24 =	sld [smem:$0x3FFE];
	[sflag:s23] =	ssyncadd.s32 $0xFFFFFFFF  }
0xa6: {  	s26 =	simm.s32 $execute0_lowered;
	[smem:$0x3FD2] =	sst s25  }
0xa7: {  	s6 =	sshll.u32 s26, $0x1;
	_ =	strace $0x80000046;
	[dreg:$0x1] =	wrdreg $0xFFFFFFFF  }
0xa8: {  	s28 =	simm.s32 $_size_execute0_lowered;
	s4 =	sadd.s32 s4, s6;
	[dreg:$0x0] =	wrdreg $0x0  }
0xa9: {  	s6 =	sshll.u32 s28, $0x1;
	[dreg:$0x2] =	wrdreg s4  }
0xaa: {  	[dreg:$0x3] =	wrdreg s6  }
0xab: {  	[dreg:$0x4] =	wrdreg $0xC0  }
0xac: {  	_ =	task [dreg:s8], $0x5FFFF  }
0xad: {  	[dreg:$0x1] =	wrdreg $0xFFFFFFFF  }
0xae: {  	[dreg:$0x0] =	wrdreg $0x60  }
0xaf: {  	[dreg:$0x2] =	wrdreg s24  }
0xb0: {  	[dreg:$0x3] =	wrdreg s2  }
0xb1: {  	[dreg:$0x4] =	wrdreg s18  }
0xb2: {  	[dreg:$0x5] =	wrdreg $0x9  }
0xb3: {  	_ =	task.clear_ibuf [dreg:s8], $0x6FFFF;
	_ =	strace $0x90000046  }
0xb4: {  	s29 =	simm.s32 $0x9;
	_ =	strace $0x80000048  }
0xb5: {  	_ =	swait.ge [sflag:s29], $0x1  }
0xb6: {  	[sflag:s29] =	ssyncadd.s32 $0xFFFFFFFF  }
0xb7: {  	_ =	strace $0x90000048  }
0xb8: {  	_ =	sfence  }
0xb9: {  	s30 =	sld [smem:$0x0];
	_ =	sdelay $0x2  }
0xba: {  	s31 =	sshll.u32 s1, $0xD;
	s1 =	sshrl.u32 s1, $0x2  }
0xbb: {  	s3 =	sand.u32 $0x4000, s31;
	s1 =	sadd.s32 s1, s30  }
0xbc: {  	s0 =	sor.u32 s3, s0;
	s1 =	sshll.u32 s1, $0x11  }
0xbd: {  	s0 =	sor.u32 s1, s0  }
0xbe: {  	s0 =	sadd.s32 $0x8F2B, s0  }
0xbf: {  	[sflag:s0] =	ssyncadd.remote.s32 $0x1  }
0xc0: {  	_ =	sfence.sel $0xFFFF  }
0xc1: {  	[dreg:$0x0] =	wrdreg $0xFFFFFFFF;
	(pc) =	sbr.abs _section_cstart, $3  }
0xc2: {  	[dreg:$0x1] =	wrdreg $0xFFFFFFFF  }
0xc3: {  	_ =	task.clear_ibuf [dreg:s8], $0x2FFFF;
	_ =	strace $0x9FFFFFFF  }
0xc4: {  	(tm) =	ssettm $0x7FFFFFFF  }
0xc5: {  	_ =	shalt  }
tec
execute0_lowered:
.L_overlay_start_1:
0x0: {  	(tag) =	ssettag $0x1  }
0x1: {  	s1 =	rddreg [dreg:$0x0]  }
0x2: {  	s0 =	srdreg.scid;
	s2 =	rddreg [dreg:$0x1]  }
0x3: {  	s6 =	stileid.u32;
	s4 =	rddreg [dreg:$0x2];
	s19 =	simm.s32 $0x3400  }
0x4: {  	s21 =	simm.s32 $0x5400;
	s15 =	simm.s32 $0x7400;
	s17 =	simm.s32 $0x9400  }
0x5: {  	s23 =	simm.s32 $0xB400;
	s28 =	simm.s32 $0xF400;
	s29 =	simm.s32 $0x11400  }
0x6: {  	s30 =	simm.s32 $0x13400;
	s31 =	simm.s32 $0x3;
	s10 =	simm.s32 $0x6  }
0x7: {  	s12 =	simm.s32 $0x7;
	s14 =	simm.s32 $0x8;
	s16 =	simm.s32 $0x9  }
0x8: {  	s18 =	simm.s32 $0xA;
	s20 =	simm.s32 $0xB;
	s22 =	simm.s32 $0xC  }
0x9: {  	s24 =	simm.s32 $0xD;
	s9 =	simm.s32 $0x13;
	s11 =	simm.s32 $0x14  }
0xa: {  	s0 =	sand.u32 $0x1, s0;
	s3 =	sshll.u32 s6, $0x1;
	s6 =	smul.u32 $0x32000, s6  }
0xb: {  	s3 =	sor.u32 s0, s3;
	s7 =	ssub.s32 $0x2, s0;
	s0 =	smul.u32 $0x19000, s0  }
0xc: {  	s13 =	simm.s32 $0x0;
	s5 =	smul.u32 $0x680, s3;
	s3 =	simm.s32 $0x0  }
0xd: {  	s8 =	sshrl.u32 s7, $0x1;
	s4 =	sadd.s32 s6, s4;
	s6 =	simm.s32 $0x11  }
0xe: {  	[smem:$0x7FF] =	sst s3;
	s25 =	ssub.s32 s7, s8;
	s0 =	sadd.s32 s0, s4  }
0xf: {  	s8 =	simm.s32 $0x40;
	s4 =	simm.s32 $0xF;
	s7 =	simm.s32 $0x12  }
.Ltmp0:
0x10: {  	_ =	strace $0x80000047;
	s1 =	sadd.s32 s5, s1;
	(pc) =	sbr.rel .LBB2_1-.Ltmp0, $4  }
0x11: {  	s26 =	smax.u32 s25, $0x1;
	s0 =	sadd.s32 $0x2400, s0;
	[dreg:$0x7] =	wrdreg s13  }
0x12: {  	s25 =	simm.s32 $0xD400;
	s5 =	simm.s32 $0x10;
	[dreg:$0x5] =	wrdreg s26  }
0x13: {  	s1 =	sadd.s32 $0x400, s1;
	[dreg:$0x6] =	wrdreg s0;
	s0 =	simm.s32 $0x5  }
0x14: {  	s26 =	simm.s32 $0xE;
	[dreg:$0x4] =	wrdreg s1;
	s1 =	simm.s32 $0x4  }
.LBB2_4:
0x15: {  	_ =	swait.ge [sflag:s22], $0x2000  }
0x16: {  	[sflag:s22] =	ssyncset.done $0x0  }
0x17: {  	[sflag:s22] =	ssyncadd.s32 $0xFFFFE000  }
0x18: {  	_ =	swait.ge [sflag:s24], $0x2000  }
0x19: {  	[sflag:s24] =	ssyncset.done $0x0  }
0x1a: {  	[sflag:s24] =	ssyncadd.s32 $0xFFFFE000  }
0x1b: {  	_ =	swait.ge [sflag:s26], $0x2000  }
0x1c: {  	[sflag:s26] =	ssyncset.done $0x0  }
0x1d: {  	[sflag:s26] =	ssyncadd.s32 $0xFFFFE000  }
0x1e: {  	_ =	swait.ge [sflag:s4], $0x2000  }
0x1f: {  	[sflag:s4] =	ssyncset.done $0x0  }
0x20: {  	[sflag:s4] =	ssyncadd.s32 $0xFFFFE000  }
0x21: {  	_ =	swait.ge [sflag:s5], $0x2000  }
0x22: {  	[sflag:s5] =	ssyncset.done $0x0  }
0x23: {  	[sflag:s5] =	ssyncadd.s32 $0xFFFFE000  }
0x24: {  	_ =	swait.ge [sflag:s6], $0x2000  }
0x25: {  	[sflag:s6] =	ssyncset.done $0x0  }
0x26: {  	[sflag:s6] =	ssyncadd.s32 $0xFFFFE000  }
0x27: {  	_ =	swait.ge [sflag:s7], $0x2000  }
0x28: {  	[sflag:s7] =	ssyncset.done $0x0  }
0x29: {  	[sflag:s7] =	ssyncadd.s32 $0xFFFFE000  }
0x2a: {  	_ =	swait.ge [sflag:s9], $0x2000  }
0x2b: {  	[sflag:s9] =	ssyncset.done $0x0  }
0x2c: {  	[sflag:s9] =	ssyncadd.s32 $0xFFFFE000  }
0x2d: {  	_ =	swait.ge [sflag:s11], $0x2000  }
0x2e: {  	s15 =	rddreg [dreg:$0x7]  }
0x2f: {  	s13 =	rddreg [dreg:$0x5];
	s15 =	sadd.s32 $0x1, s15  }
0x30: {  	p0 =	sne.s32 s15, s13  }
.Ltmp1:
0x31: {  	_ = 	snop;
	(pc) =	sbr.rel @!p0 .LBB2_5-.Ltmp1, $4  }
0x32: {  	s17 =	simm.s32 $0x9400  }
0x33: {  	s23 =	simm.s32 $0xB400;
	s25 =	simm.s32 $0xD400;
	s28 =	simm.s32 $0xF400  }
0x34: {  	s29 =	simm.s32 $0x11400;
	s30 =	simm.s32 $0x13400;
	[sflag:s11] =	ssyncset.done $0x0  }
0x35: {  	[sflag:s11] =	ssyncadd.s32 $0xFFFFE000;
	[dreg:$0x7] =	wrdreg s15;
	s15 =	simm.s32 $0x7400  }
.LBB2_1:
0x36: {  	s13 =	rddreg [dreg:$0x4]  }
0x37: {  	[tilespmem:s3], [sflag:$0x15] =	stream.linear.gather [hbm4b:s13+s3], $0x3200, $0x38;
	[tilespmem:$0x17400] =	vst v63  }
0x38: {  	s13 =	simm.s32 $0x15  }
0x39: {  	_ =	swait.ge [sflag:s13], $0x3200  }
0x3a: {  	[sflag:s13] =	ssyncset.done $0x0  }
0x3b: {  	[sflag:s13] =	ssyncadd.s32 $0xFFFFCE00  }
0x3c: {  	[tilespmem:s19], [sflag:$0x1] =	stream.indirect.gather [hbm4b:s2+s8], $0x80, s3, s8, $0xb8;
	[tilespmem:$0x17400] =	vst v63  }
0x3d: {  	s13 =	simm.s32 $0x80  }
0x3e: {  	[tilespmem:s21], [sflag:$0x2] =	stream.indirect.gather [hbm4b:s2+s8], $0x80, s13, s8, $0xb8;
	[tilespmem:$0x17400] =	vst v63  }
0x3f: {  	s13 =	simm.s32 $0x100  }
0x40: {  	[tilespmem:s15], [sflag:$0x3] =	stream.indirect.gather [hbm4b:s2+s8], $0x80, s13, s8, $0xb8;
	[tilespmem:$0x17400] =	vst v63  }
0x41: {  	s15 =	simm.s32 $0x180  }
0x42: {  	[tilespmem:s17], [sflag:$0x4] =	stream.indirect.gather [hbm4b:s2+s8], $0x80, s15, s8, $0xb8;
	[tilespmem:$0x17400] =	vst v63  }
0x43: {  	s17 =	simm.s32 $0x200  }
0x44: {  	[tilespmem:s23], [sflag:$0x5] =	stream.indirect.gather [hbm4b:s2+s8], $0x80, s17, s8, $0xb8;
	[tilespmem:$0x17400] =	vst v63  }
0x45: {  	s23 =	simm.s32 $0x280  }
0x46: {  	[tilespmem:s25], [sflag:$0x6] =	stream.indirect.gather [hbm4b:s2+s8], $0x80, s23, s8, $0xb8;
	[tilespmem:$0x17400] =	vst v63  }
0x47: {  	s15 =	simm.s32 $0x300  }
0x48: {  	[tilespmem:s28], [sflag:$0x7] =	stream.indirect.gather [hbm4b:s2+s8], $0x80, s15, s8, $0xb8;
	[tilespmem:$0x17400] =	vst v63  }
0x49: {  	s17 =	simm.s32 $0x380  }
0x4a: {  	[tilespmem:s29], [sflag:$0x8] =	stream.indirect.gather [hbm4b:s2+s8], $0x80, s17, s8, $0xb8;
	[tilespmem:$0x17400] =	vst v63  }
0x4b: {  	s13 =	rddreg [dreg:$0x6];
	s23 =	simm.s32 $0x400;
	s25 =	simm.s32 $0x480  }
0x4c: {  	[tilespmem:s30], [sflag:$0x9] =	stream.indirect.gather [hbm4b:s2+s8], $0x80, s23, s8, $0xb8;
	[tilespmem:$0x17400] =	vst v63  }
0x4d: {  	s28 =	simm.s32 $0x15400;
	s15 =	simm.s32 $0x0;
	s29 =	simm.s32 $0xD400  }
0x4e: {  	[tilespmem:s28], [sflag:$0xA] =	stream.indirect.gather [hbm4b:s2+s8], $0x80, s25, s8, $0xb8;
	[tilespmem:$0x17400] =	vst v63  }
0x4f: {  	s23 =	simm.s32 $0x13400;
	s30 =	simm.s32 $0x11400;
	s25 =	simm.s32 $0x9400  }
.LBB2_2:
0x50: {  	s17 =	simm.s32 $0x1  }
0x51: {  	_ =	swait.ge [sflag:s17], $0x2000  }
0x52: {  	[sflag:s17] =	ssyncset.done $0x0  }
0x53: {  	s28 =	sadd.s32 $0xFFFFDC00, s13;
	[sflag:s17] =	ssyncadd.s32 $0xFFFFE000  }
0x54: {  	[hbm4b:s28+s3] =	stream.linear.scatter [tilespmem:s19], [sflag:$0xB], $0x2000, $0x38;
	[tilespmem:$0x17400] =	vst v63  }
0x55: {  	s28 =	simm.s32 $0x2  }
0x56: {  	_ =	swait.ge [sflag:s28], $0x2000  }
0x57: {  	[sflag:s28] =	ssyncset.done $0x0  }
0x58: {  	[sflag:s28] =	ssyncadd.s32 $0xFFFFE000;
	s28 =	sadd.s32 $0xFFFFE000, s13  }
0x59: {  	[hbm4b:s28+s3] =	stream.linear.scatter [tilespmem:s21], [sflag:$0xC], $0x2000, $0x38;
	[tilespmem:$0x17400] =	vst v63  }
0x5a: {  	_ =	swait.ge [sflag:s31], $0x2000  }
0x5b: {  	[sflag:s31] =	ssyncset.done $0x0  }
0x5c: {  	s17 =	sadd.s32 $0xFFFFE400, s13;
	s28 =	simm.s32 $0x7400;
	[sflag:s31] =	ssyncadd.s32 $0xFFFFE000  }
0x5d: {  	[hbm4b:s17+s3] =	stream.linear.scatter [tilespmem:s28], [sflag:$0xD], $0x2000, $0x38;
	[tilespmem:$0x17400] =	vst v63  }
0x5e: {  	_ =	swait.ge [sflag:s1], $0x2000  }
0x5f: {  	[sflag:s1] =	ssyncset.done $0x0  }
0x60: {  	s28 =	sadd.s32 $0xFFFFE800, s13;
	[sflag:s1] =	ssyncadd.s32 $0xFFFFE000  }
0x61: {  	[hbm4b:s28+s3] =	stream.linear.scatter [tilespmem:s25], [sflag:$0xE], $0x2000, $0x38;
	[tilespmem:$0x17400] =	vst v63  }
0x62: {  	_ =	swait.ge [sflag:s0], $0x2000  }
0x63: {  	[sflag:s0] =	ssyncset.done $0x0  }
0x64: {  	s17 =	sadd.s32 $0xFFFFEC00, s13;
	s28 =	simm.s32 $0xB400;
	[sflag:s0] =	ssyncadd.s32 $0xFFFFE000  }
0x65: {  	[hbm4b:s17+s3] =	stream.linear.scatter [tilespmem:s28], [sflag:$0xF], $0x2000, $0x38;
	[tilespmem:$0x17400] =	vst v63  }
0x66: {  	_ =	swait.ge [sflag:s10], $0x2000  }
0x67: {  	[sflag:s10] =	ssyncset.done $0x0  }
0x68: {  	s28 =	sadd.s32 $0xFFFFF000, s13;
	[sflag:s10] =	ssyncadd.s32 $0xFFFFE000  }
0x69: {  	[hbm4b:s28+s3] =	stream.linear.scatter [tilespmem:s29], [sflag:$0x10], $0x2000, $0x38;
	[tilespmem:$0x17400] =	vst v63  }
0x6a: {  	_ =	swait.ge [sflag:s12], $0x2000  }
0x6b: {  	[sflag:s12] =	ssyncset.done $0x0  }
0x6c: {  	s17 =	sadd.s32 $0xFFFFF400, s13;
	s28 =	simm.s32 $0xF400;
	[sflag:s12] =	ssyncadd.s32 $0xFFFFE000  }
0x6d: {  	[hbm4b:s17+s3] =	stream.linear.scatter [tilespmem:s28], [sflag:$0x11], $0x2000, $0x38;
	[tilespmem:$0x17400] =	vst v63  }
0x6e: {  	_ =	swait.ge [sflag:s14], $0x2000  }
0x6f: {  	[sflag:s14] =	ssyncset.done $0x0  }
0x70: {  	s28 =	sadd.s32 $0xFFFFF800, s13;
	[sflag:s14] =	ssyncadd.s32 $0xFFFFE000  }
0x71: {  	[hbm4b:s28+s3] =	stream.linear.scatter [tilespmem:s30], [sflag:$0x12], $0x2000, $0x38;
	[tilespmem:$0x17400] =	vst v63  }
0x72: {  	_ =	swait.ge [sflag:s16], $0x2000  }
0x73: {  	[sflag:s16] =	ssyncset.done $0x0  }
0x74: {  	s28 =	sadd.s32 $0xFFFFFC00, s13;
	[sflag:s16] =	ssyncadd.s32 $0xFFFFE000  }
0x75: {  	[hbm4b:s28+s3] =	stream.linear.scatter [tilespmem:s23], [sflag:$0x13], $0x2000, $0x38;
	[tilespmem:$0x17400] =	vst v63  }
0x76: {  	_ =	swait.ge [sflag:s18], $0x2000  }
0x77: {  	p0 =	seq.s32 s15, $0xB400;
	[sflag:s18] =	ssyncset.done $0x0  }
.Ltmp2:
0x78: {  	s28 =	simm.s32 $0x15400;
	[sflag:s18] =	ssyncadd.s32 $0xFFFFE000;
	(pc) =	sbr.rel @p0 .LBB2_4-.Ltmp2, $4  }
0x79: {  	[hbm4b:s13+s3] =	stream.linear.scatter [tilespmem:s28], [sflag:$0x14], $0x2000, $0x38;
	[tilespmem:$0x17400] =	vst v63  }
0x7a: {  	_ =	swait.ge [sflag:s20], $0x2000  }
0x7b: {  	[sflag:s20] =	ssyncset.done $0x0  }
0x7c: {  	[sflag:s20] =	ssyncadd.s32 $0xFFFFE000  }
0x7d: {  	s17 =	sshra.s32 s15, $0x2  }
0x7e: {  	s21 =	simm.s32 $0x3400;
	s19 =	sadd.s32 $0x500, s17  }
0x7f: {  	[tilespmem:s21], [sflag:$0x1] =	stream.indirect.gather [hbm4b:s2+s8], $0x80, s19, s8, $0xb8;
	[tilespmem:$0x17400] =	vst v63  }
0x80: {  	_ =	swait.ge [sflag:s22], $0x2000  }
0x81: {  	[sflag:s22] =	ssyncset.done $0x0  }
0x82: {  	s28 =	sadd.s32 $0x580, s17;
	s21 =	simm.s32 $0x5400;
	[sflag:s22] =	ssyncadd.s32 $0xFFFFE000  }
0x83: {  	[tilespmem:s21], [sflag:$0x2] =	stream.indirect.gather [hbm4b:s2+s8], $0x80, s28, s8, $0xb8;
	[tilespmem:$0x17400] =	vst v63  }
0x84: {  	_ =	swait.ge [sflag:s24], $0x2000  }
0x85: {  	[sflag:s24] =	ssyncset.done $0x0  }
0x86: {  	s19 =	sadd.s32 $0x600, s17;
	s28 =	simm.s32 $0x7400;
	[sflag:s24] =	ssyncadd.s32 $0xFFFFE000  }
0x87: {  	[tilespmem:s28], [sflag:$0x3] =	stream.indirect.gather [hbm4b:s2+s8], $0x80, s19, s8, $0xb8;
	[tilespmem:$0x17400] =	vst v63  }
0x88: {  	_ =	swait.ge [sflag:s26], $0x2000  }
0x89: {  	[sflag:s26] =	ssyncset.done $0x0  }
0x8a: {  	s28 =	sadd.s32 $0x680, s17;
	[sflag:s26] =	ssyncadd.s32 $0xFFFFE000  }
0x8b: {  	[tilespmem:s25], [sflag:$0x4] =	stream.indirect.gather [hbm4b:s2+s8], $0x80, s28, s8, $0xb8;
	[tilespmem:$0x17400] =	vst v63  }
0x8c: {  	_ =	swait.ge [sflag:s4], $0x2000  }
0x8d: {  	[sflag:s4] =	ssyncset.done $0x0  }
0x8e: {  	s19 =	sadd.s32 $0x700, s17;
	s28 =	simm.s32 $0xB400;
	[sflag:s4] =	ssyncadd.s32 $0xFFFFE000  }
0x8f: {  	[tilespmem:s28], [sflag:$0x5] =	stream.indirect.gather [hbm4b:s2+s8], $0x80, s19, s8, $0xb8;
	[tilespmem:$0x17400] =	vst v63  }
0x90: {  	_ =	swait.ge [sflag:s5], $0x2000  }
0x91: {  	[sflag:s5] =	ssyncset.done $0x0  }
0x92: {  	s28 =	sadd.s32 $0x780, s17;
	[sflag:s5] =	ssyncadd.s32 $0xFFFFE000  }
0x93: {  	[tilespmem:s29], [sflag:$0x6] =	stream.indirect.gather [hbm4b:s2+s8], $0x80, s28, s8, $0xb8;
	[tilespmem:$0x17400] =	vst v63  }
0x94: {  	_ =	swait.ge [sflag:s6], $0x2000  }
0x95: {  	[sflag:s6] =	ssyncset.done $0x0  }
0x96: {  	s19 =	sadd.s32 $0x800, s17;
	s28 =	simm.s32 $0xF400;
	[sflag:s6] =	ssyncadd.s32 $0xFFFFE000  }
0x97: {  	[tilespmem:s28], [sflag:$0x7] =	stream.indirect.gather [hbm4b:s2+s8], $0x80, s19, s8, $0xb8;
	[tilespmem:$0x17400] =	vst v63  }
0x98: {  	_ =	swait.ge [sflag:s7], $0x2000  }
0x99: {  	[sflag:s7] =	ssyncset.done $0x0  }
0x9a: {  	s28 =	sadd.s32 $0x880, s17;
	[sflag:s7] =	ssyncadd.s32 $0xFFFFE000  }
0x9b: {  	[tilespmem:s30], [sflag:$0x8] =	stream.indirect.gather [hbm4b:s2+s8], $0x80, s28, s8, $0xb8;
	[tilespmem:$0x17400] =	vst v63  }
0x9c: {  	_ =	swait.ge [sflag:s9], $0x2000  }
0x9d: {  	[sflag:s9] =	ssyncset.done $0x0  }
0x9e: {  	s28 =	sadd.s32 $0x900, s17;
	[sflag:s9] =	ssyncadd.s32 $0xFFFFE000  }
0x9f: {  	[tilespmem:s23], [sflag:$0x9] =	stream.indirect.gather [hbm4b:s2+s8], $0x80, s28, s8, $0xb8;
	[tilespmem:$0x17400] =	vst v63  }
.Ltmp3:
0xa0: {  	_ = 	snop;
	(pc) =	sbr.rel .LBB2_2-.Ltmp3, $4  }
0xa1: {  	s15 =	sadd.s32 $0x1400, s15;
	_ =	swait.ge [sflag:s11], $0x2000  }
0xa2: {  	s13 =	sadd.s32 $0x2800, s13;
	s19 =	simm.s32 $0x3400;
	[sflag:s11] =	ssyncset.done $0x0  }
0xa3: {  	s17 =	sadd.s32 $0x980, s17;
	s28 =	simm.s32 $0x15400;
	[sflag:s11] =	ssyncadd.s32 $0xFFFFE000  }
0xa4: {  	[tilespmem:s28], [sflag:$0xA] =	stream.indirect.gather [hbm4b:s2+s8], $0x80, s17, s8, $0xb8;
	[tilespmem:$0x17400] =	vst v63  }
.LBB2_5:
0xa5: {  	_ =	sfence.sel $0x180000  }
0xa6: {  	[bflag:$0x0] =	sbarrier.arrive $0xFFFF  }
0xa7: {  	_ =	strace $0x90000047  }
0xa8: {  	s0 =	stileid.u32;
	[bflag:$0x2] =	sbarrier.arrive $0xFFFF  }
0xa9: {  	p0 =	sne.s32 s0, $0x0;
	s0 =	rddreg [dreg:$0x3]  }
0xaa: {  	s0 =	sadd.s32 @!p0 $0x100000, s0  }
0xab: {  	[sflag:s0] =	ssyncadd.tile.s32 @!p0 $0x1;
	_ =	shalt  }
.Lfunc_end2:
_tile_overlayer_lowered:
.L_overlay_start_2:
0xac: {  	(tag) =	ssettag $0x2  }
0xad: {  	s0 =	rddreg [dreg:$0x0];
	s2 =	stileid.u32  }
0xae: {  	s1 =	rddreg [dreg:$0x1];
	p0 =	sne.s32 s2, $0x0  }
0xaf: {  	s3 =	rddreg [dreg:$0x2];
	[bflag:$0x3] =	sbarrier.arrive $0xFFFF;
	s2 =	simm.s32 @!p0 $0x1C15  }
0xb0: {  	[timem:s3], [sflag:s2] =	dma.local @!p0 [hbm:s0], s1  }
0xb1: {  	s0 =	simm.s32 @!p0 $0x15  }
0xb2: {  	_ =	swait.ge @!p0 [sflag:s0], s1  }
0xb3: {  	s1 =	ssub.s32 @!p0 $0x0, s1;
	[sflag:s0] =	ssyncset.done @!p0 $0x0  }
0xb4: {  	[sflag:s0] =	ssyncadd.s32 @!p0 s1  }
0xb5: {  	[bflag:$0x3] =	sbarrier.arrive $0xFFFF  }
0xb6: {  	_ =	shalt  }

</sc_bundles>
